<compile_context>
chip_gen: v7x
topology: tpu7x:2x2x1
jax: 0.10.2.dev20260603
libtpu: 0.0.44.dev20260713+nightly
codegen_flags: <defaults>
</compile_context>

<pallas_src>
import functools

import jax
import jax.numpy as jnp
from jax import lax
from jax.experimental import pallas as pl
from jax.experimental.pallas import tpu as pltpu
from jax.experimental.pallas import tpu_sc as plsc

S = 16384
D = 128
NC = 2
NS = 16
NW = NC * NS
SEG = S // NW
CH = 128
NCHUNK = SEG // CH
L = 16


def _take(v, idx):
    return v.at[idx].get(mode="promise_in_bounds")


_SHIFTS = (1, 2, 4, 8)
_LOG2 = {1: 0, 2: 1, 4: 2, 8: 3}


def _cumsum16(v, lanes):
    for k in _SHIFTS:
        w = jnp.minimum(lax.shift_right_logical(lanes, _LOG2[k]), 1)
        v = v + _take(v, jnp.maximum(lanes - k, 0)) * w
    return v


def _allsum16(v, lanes):
    for k in _SHIFTS:
        v = v + _take(v, lanes ^ k)
    return v


@functools.partial(
    pl.kernel,
    mesh=plsc.VectorSubcoreMesh(core_axis_name="c", subcore_axis_name="s"),
    out_type=jax.ShapeDtypeStruct((S, D), jnp.float32),
    scratch_types=[
        pltpu.VMEM((2, SEG), jnp.int32),
        pltpu.VMEM((2, L), jnp.int32),
        pltpu.VMEM((NCHUNK, CH), jnp.int32),
        pltpu.VMEM((NCHUNK, CH, D), jnp.float32),
        pltpu.SMEM((1,), jnp.int32),
        pltpu.SemaphoreType.DMA,
        pltpu.SemaphoreType.DMA,
        pltpu.SemaphoreType.DMA,
        pltpu.SemaphoreType.DMA,
        pltpu.SemaphoreType.DMA,
    ],
)
def _gather_kernel(mask_hbm, src_hbm, out_hbm,
                   mask_v, tot_v, idx_v, rows_v, cnt_ref,
                   sem_g0, sem_g1, sem_g2, sem_g3, sem_o):
    c = lax.axis_index("c")
    s = lax.axis_index("s")
    wid = c * NS + s
    lanes = lax.iota(jnp.int32, L)
    last = lanes * 0 + (L - 1)
    zeros = jnp.zeros((L,), jnp.int32)

    first_seg = s
    second_seg = s + NS
    own_row = c
    ld0 = pltpu.async_copy(mask_hbm.at[pl.ds((s + c * NS) * SEG, SEG)],
                           mask_v.at[c], sem_g0)
    ld1 = pltpu.async_copy(mask_hbm.at[pl.ds((s + (1 - c) * NS) * SEG, SEG)],
                           mask_v.at[1 - c], sem_g1)
    cnt_ref[0] = 0
    plsc.subcore_barrier()
    ld0.wait()
    ld1.wait()

    for h in range(2):
        acc = zeros
        for j in range(0, SEG // L, 4):
            acc = (acc + mask_v[h, pl.ds(j * L, L)]
                   + mask_v[h, pl.ds((j + 1) * L, L)]
                   + mask_v[h, pl.ds((j + 2) * L, L)]
                   + mask_v[h, pl.ds((j + 3) * L, L)])
        tot_v[h, :] = _allsum16(acc, lanes)
    t_first = tot_v[0, :][0]
    t_second = tot_v[1, :][0]

    for t in range(NS):
        T = c * NS + t
        m1 = (first_seg < T).astype(jnp.int32)
        m2 = (second_seg < T).astype(jnp.int32)
        contrib = m1 * t_first + m2 * t_second
        plsc.fetch_and_add(cnt_ref.at[0], contrib, subcore_id=t)
    plsc.subcore_barrier()
    off = zeros + cnt_ref[0]

    base = wid * SEG

    def cs_body(j, carry):
        v = mask_v[own_row, pl.ds(j * L, L)]
        cs = _cumsum16(v, lanes) + carry
        idx = jnp.maximum(cs - 1, 0)
        idx_v[j >> 3, pl.ds((j & 7) * L, L)] = idx
        return _take(cs, last)
    lax.fori_loop(0, SEG // L, cs_body, off)

    sems = (sem_g0, sem_g1, sem_g2, sem_g3)
    gathers = [
        pltpu.async_copy(src_hbm.at[idx_v.at[j]], rows_v.at[j], sems[j])
        for j in range(NCHUNK)
    ]
    outs = []
    for j in range(NCHUNK):
        gathers[j].wait()
        outs.append(pltpu.async_copy(
            rows_v.at[j], out_hbm.at[pl.ds(base + j * CH, CH)], sem_o))
    for cp in outs:
        cp.wait()


def kernel(mask_1d, source):
    return _gather_kernel(mask_1d.astype(jnp.int32), source)

# --- scband reference (transcript-rebuilt; emitter-appended) ---
"""Pipeline reference for scband-op1-to8-pipeline-12678743457881 (READ-ONLY COPY).

The authoritative reference and input builder live on the scoring server;
editing this copy changes nothing except your own understanding.
"""

import jax, jax.numpy as jnp
import numpy as np

MAX_VAL = 99999
D = 128

def setup_inputs(seed: int = 0) -> dict:
    key = jax.random.key(seed)
    k1, k2 = jax.random.split(key)
    mask_1d = jax.random.randint(k1, (16384,), 0, 2, dtype=jnp.int32)
    source = jax.random.normal(k2, (100000, 128), dtype=jnp.float32)
    return {"mask_1d": mask_1d, "source": source}

def reference(mask_1d, source):
    S = mask_1d.shape[0]
    mask_i = mask_1d.astype(jnp.int32)
    source_idx = jnp.cumsum(mask_i, axis=0) - 1
    source_idx = jnp.clip(source_idx, 0, MAX_VAL)
    flat_source = source.reshape(-1)
    col_idx = jnp.arange(D, dtype=source_idx.dtype)
    flat_idx = source_idx[:, None] * D + col_idx[None, :]
    return flat_source[flat_idx.reshape(-1)].reshape(S, D)

if __name__ == "__main__":
    import jax
    _d = setup_inputs()
    print(jax.jit(kernel)(*tuple(_d.values())))

</pallas_src>

<mosaic_0001>
#map = affine_map<(d0, d1) -> (0)>
#map1 = affine_map<(d0, d1) -> (0, 0)>
module attributes {stable_mosaic.version = 14 : i64} {
  func.func @_gather_kernel(%arg0: i32, %arg1: i32, %arg2: memref<16384xi32, #tpu.memory_space<hbm>>, %arg3: memref<100000x128xf32, #tpu.memory_space<hbm>>, %arg4: memref<16384x128xf32, #tpu.memory_space<hbm>>, %arg5: memref<2x512xi32, #tpu.memory_space<vmem>>, %arg6: memref<2x16xi32, #tpu.memory_space<vmem>>, %arg7: memref<4x128xi32, #tpu.memory_space<vmem>>, %arg8: memref<4x128x128xf32, #tpu.memory_space<vmem>>, %arg9: memref<1xi32, #tpu.memory_space<smem>>, %arg10: memref<!tpu.dma_semaphore, #tpu.memory_space<semaphore_mem>>, %arg11: memref<!tpu.dma_semaphore, #tpu.memory_space<semaphore_mem>>, %arg12: memref<!tpu.dma_semaphore, #tpu.memory_space<semaphore_mem>>, %arg13: memref<!tpu.dma_semaphore, #tpu.memory_space<semaphore_mem>>, %arg14: memref<!tpu.dma_semaphore, #tpu.memory_space<semaphore_mem>>) attributes {dimension_semantics = [#tpu.dimension_semantics<core_parallel>, #tpu.dimension_semantics<subcore_parallel>], iteration_bounds = array<i64: 2, 16>, scalar_prefetch = 0 : i64, scratch_operands = 10 : i64, tpu.core_type = #tpu.core_type<sc_vector_subcore>, window_params = [{transform_indices = #map}, {transform_indices = #map1}, {transform_indices = #map1}]} {
    %mul3A = arith.constant 16 : i32
    %mul3A_0 = arith.muli %arg0, %mul3A : i32
    %add3A = arith.addi %mul3A_0, %arg1 : i32
    %iota3A = tpu.iota {dimensions = array<i32: 0>} : vector<16xi32>
    %mul3A_1 = arith.constant 0 : i32
    %mul3A_2 = vector.broadcast %mul3A_1 : i32 to vector<16xi32>
    %mul3A_3 = arith.muli %iota3A, %mul3A_2 : vector<16xi32>
    %add3A_4 = arith.constant 15 : i32
    %add3A_5 = vector.broadcast %add3A_4 : i32 to vector<16xi32>
    %add3A_6 = arith.addi %mul3A_3, %add3A_5 : vector<16xi32>
    %broadcast_in_dim3A = arith.constant 0 : i32
    %broadcast_in_dim3A_7 = vector.broadcast %broadcast_in_dim3A : i32 to vector<16xi32>
    %add3A_8 = arith.constant 16 : i32
    %add3A_9 = arith.addi %arg1, %add3A_8 : i32
    %mul3A_10 = arith.constant 16 : i32
    %mul3A_11 = arith.muli %arg0, %mul3A_10 : i32
    %add3A_12 = arith.addi %arg1, %mul3A_11 : i32
    %mul3A_13 = arith.constant 512 : i32
    %mul3A_14 = arith.muli %add3A_12, %mul3A_13 : i32
    %dma_start3A = arith.constant 0 : i32
    %dma_start3A_15 = tpu.memref_slice %arg5[%arg0, %dma_start3A] : memref<2x512xi32, #tpu.memory_space<vmem>> -> memref<1x512xi32, #tpu.memory_space<vmem>>
    %dma_start3A_16 = tpu.memref_squeeze %dma_start3A_15 : memref<1x512xi32, #tpu.memory_space<vmem>> -> memref<512xi32, #tpu.memory_space<vmem>>
    %dma_start3A_17 = tpu.memref_slice %arg2[%mul3A_14] : memref<16384xi32, #tpu.memory_space<hbm>> -> memref<512xi32, #tpu.memory_space<hbm>>
    %dma_start3A_18 = arith.constant 0 : i32
    %dma_start3A_19 = tpu.memref_slice %arg5[%arg0, %dma_start3A_18] : memref<2x512xi32, #tpu.memory_space<vmem>> -> memref<1x512xi32, #tpu.memory_space<vmem>>
    %dma_start3A_20 = tpu.memref_squeeze %dma_start3A_19 : memref<1x512xi32, #tpu.memory_space<vmem>> -> memref<512xi32, #tpu.memory_space<vmem>>
    %dma_start3A_21 = tpu.memref_slice %arg2[%mul3A_14] : memref<16384xi32, #tpu.memory_space<hbm>> -> memref<512xi32, #tpu.memory_space<hbm>>
    tpu.enqueue_dma source(%dma_start3A_21 : memref<512xi32, #tpu.memory_space<hbm>>) target(%dma_start3A_20 : memref<512xi32, #tpu.memory_space<vmem>>) target_semaphore(%arg10 : memref<!tpu.dma_semaphore, #tpu.memory_space<semaphore_mem>>)
    %sub3A = arith.constant 1 : i32
    %sub3A_22 = arith.subi %sub3A, %arg0 : i32
    %mul3A_23 = arith.constant 16 : i32
    %mul3A_24 = arith.muli %sub3A_22, %mul3A_23 : i32
    %add3A_25 = arith.addi %arg1, %mul3A_24 : i32
    %mul3A_26 = arith.constant 512 : i32
    %mul3A_27 = arith.muli %add3A_25, %mul3A_26 : i32
    %sub3A_28 = arith.constant 1 : i32
    %sub3A_29 = arith.subi %sub3A_28, %arg0 : i32
    %dma_start3A_30 = arith.constant 0 : i32
    %dma_start3A_31 = tpu.memref_slice %arg5[%sub3A_29, %dma_start3A_30] : memref<2x512xi32, #tpu.memory_space<vmem>> -> memref<1x512xi32, #tpu.memory_space<vmem>>
    %dma_start3A_32 = tpu.memref_squeeze %dma_start3A_31 : memref<1x512xi32, #tpu.memory_space<vmem>> -> memref<512xi32, #tpu.memory_space<vmem>>
    %dma_start3A_33 = tpu.memref_slice %arg2[%mul3A_27] : memref<16384xi32, #tpu.memory_space<hbm>> -> memref<512xi32, #tpu.memory_space<hbm>>
    %dma_start3A_34 = arith.constant 0 : i32
    %dma_start3A_35 = tpu.memref_slice %arg5[%sub3A_29, %dma_start3A_34] : memref<2x512xi32, #tpu.memory_space<vmem>> -> memref<1x512xi32, #tpu.memory_space<vmem>>
    %dma_start3A_36 = tpu.memref_squeeze %dma_start3A_35 : memref<1x512xi32, #tpu.memory_space<vmem>> -> memref<512xi32, #tpu.memory_space<vmem>>
    %dma_start3A_37 = tpu.memref_slice %arg2[%mul3A_27] : memref<16384xi32, #tpu.memory_space<hbm>> -> memref<512xi32, #tpu.memory_space<hbm>>
    tpu.enqueue_dma source(%dma_start3A_37 : memref<512xi32, #tpu.memory_space<hbm>>) target(%dma_start3A_36 : memref<512xi32, #tpu.memory_space<vmem>>) target_semaphore(%arg11 : memref<!tpu.dma_semaphore, #tpu.memory_space<semaphore_mem>>)
    %swap3A = arith.constant 0 : i32
    %swap3A_38 = arith.constant 0 : i32
    %swap3A_39 = arith.index_cast %swap3A_38 : i32 to index
    %swap3A_40 = memref.load %arg9[%swap3A_39] : memref<1xi32, #tpu.memory_space<smem>>
    memref.store %swap3A, %arg9[%swap3A_39] : memref<1xi32, #tpu.memory_space<smem>>
    %barrier3A = arith.constant 0 : index
    tpu.barrier barrier_id(%barrier3A)
    %dma_wait3A = arith.constant 0 : i32
    %dma_wait3A_41 = tpu.memref_slice %arg5[%arg0, %dma_wait3A] : memref<2x512xi32, #tpu.memory_space<vmem>> -> memref<1x512xi32, #tpu.memory_space<vmem>>
    %dma_wait3A_42 = tpu.memref_squeeze %dma_wait3A_41 : memref<1x512xi32, #tpu.memory_space<vmem>> -> memref<512xi32, #tpu.memory_space<vmem>>
    %dma_wait3A_43 = tpu.memref_slice %arg2[%mul3A_14] : memref<16384xi32, #tpu.memory_space<hbm>> -> memref<512xi32, #tpu.memory_space<hbm>>
    %dma_wait3A_44 = arith.constant 0 : i32
    %dma_wait3A_45 = tpu.memref_slice %arg5[%arg0, %dma_wait3A_44] : memref<2x512xi32, #tpu.memory_space<vmem>> -> memref<1x512xi32, #tpu.memory_space<vmem>>
    %dma_wait3A_46 = tpu.memref_squeeze %dma_wait3A_45 : memref<1x512xi32, #tpu.memory_space<vmem>> -> memref<512xi32, #tpu.memory_space<vmem>>
    %dma_wait3A_47 = tpu.memref_slice %arg2[%mul3A_14] : memref<16384xi32, #tpu.memory_space<hbm>> -> memref<512xi32, #tpu.memory_space<hbm>>
    tpu.wait_dma2 semaphore(%arg10 : memref<!tpu.dma_semaphore, #tpu.memory_space<semaphore_mem>>) src(%dma_wait3A_47 : memref<512xi32, #tpu.memory_space<hbm>>) dst(%dma_wait3A_46 : memref<512xi32, #tpu.memory_space<vmem>>)
    %dma_wait3A_48 = arith.constant 0 : i32
    %dma_wait3A_49 = tpu.memref_slice %arg5[%sub3A_29, %dma_wait3A_48] : memref<2x512xi32, #tpu.memory_space<vmem>> -> memref<1x512xi32, #tpu.memory_space<vmem>>
    %dma_wait3A_50 = tpu.memref_squeeze %dma_wait3A_49 : memref<1x512xi32, #tpu.memory_space<vmem>> -> memref<512xi32, #tpu.memory_space<vmem>>
    %dma_wait3A_51 = tpu.memref_slice %arg2[%mul3A_27] : memref<16384xi32, #tpu.memory_space<hbm>> -> memref<512xi32, #tpu.memory_space<hbm>>
    %dma_wait3A_52 = arith.constant 0 : i32
    %dma_wait3A_53 = tpu.memref_slice %arg5[%sub3A_29, %dma_wait3A_52] : memref<2x512xi32, #tpu.memory_space<vmem>> -> memref<1x512xi32, #tpu.memory_space<vmem>>
    %dma_wait3A_54 = tpu.memref_squeeze %dma_wait3A_53 : memref<1x512xi32, #tpu.memory_space<vmem>> -> memref<512xi32, #tpu.memory_space<vmem>>
    %dma_wait3A_55 = tpu.memref_slice %arg2[%mul3A_27] : memref<16384xi32, #tpu.memory_space<hbm>> -> memref<512xi32, #tpu.memory_space<hbm>>
    tpu.wait_dma2 semaphore(%arg11 : memref<!tpu.dma_semaphore, #tpu.memory_space<semaphore_mem>>) src(%dma_wait3A_55 : memref<512xi32, #tpu.memory_space<hbm>>) dst(%dma_wait3A_54 : memref<512xi32, #tpu.memory_space<vmem>>)
    %get3A = arith.constant 0 : i32
    %get3A_56 = arith.index_cast %get3A : i32 to index
    %get3A_57 = arith.constant 0 : index
    %get3A_58 = tpu.vector_load %arg5[%get3A_56, %get3A_57] {strides = array<i32>} : memref<2x512xi32, #tpu.memory_space<vmem>>, vector<1x16xi32>,
    %get3A_59 = vector.shape_cast %get3A_58 : vector<1x16xi32> to vector<16xi32>
    %add3A_60 = arith.addi %broadcast_in_dim3A_7, %get3A_59 : vector<16xi32>
    %get3A_61 = arith.constant 0 : i32
    %get3A_62 = arith.index_cast %get3A_61 : i32 to index
    %get3A_63 = arith.constant 16 : index
    %get3A_64 = tpu.vector_load %arg5[%get3A_62, %get3A_63] {strides = array<i32>} : memref<2x512xi32, #tpu.memory_space<vmem>>, vector<1x16xi32>,
    %get3A_65 = vector.shape_cast %get3A_64 : vector<1x16xi32> to vector<16xi32>
    %add3A_66 = arith.addi %add3A_60, %get3A_65 : vector<16xi32>
    %get3A_67 = arith.constant 0 : i32
    %get3A_68 = arith.index_cast %get3A_67 : i32 to index
    %get3A_69 = arith.constant 32 : index
    %get3A_70 = tpu.vector_load %arg5[%get3A_68, %get3A_69] {strides = array<i32>} : memref<2x512xi32, #tpu.memory_space<vmem>>, vector<1x16xi32>,
    %get3A_71 = vector.shape_cast %get3A_70 : vector<1x16xi32> to vector<16xi32>
    %add3A_72 = arith.addi %add3A_66, %get3A_71 : vector<16xi32>
    %get3A_73 = arith.constant 0 : i32
    %get3A_74 = arith.index_cast %get3A_73 : i32 to index
    %get3A_75 = arith.constant 48 : index
    %get3A_76 = tpu.vector_load %arg5[%get3A_74, %get3A_75] {strides = array<i32>} : memref<2x512xi32, #tpu.memory_space<vmem>>, vector<1x16xi32>,
    %get3A_77 = vector.shape_cast %get3A_76 : vector<1x16xi32> to vector<16xi32>
    %add3A_78 = arith.addi %add3A_72, %get3A_77 : vector<16xi32>
    %get3A_79 = arith.constant 0 : i32
    %get3A_80 = arith.index_cast %get3A_79 : i32 to index
    %get3A_81 = arith.constant 64 : index
    %get3A_82 = tpu.vector_load %arg5[%get3A_80, %get3A_81] {strides = array<i32>} : memref<2x512xi32, #tpu.memory_space<vmem>>, vector<1x16xi32>,
    %get3A_83 = vector.shape_cast %get3A_82 : vector<1x16xi32> to vector<16xi32>
    %add3A_84 = arith.addi %add3A_78, %get3A_83 : vector<16xi32>
    %get3A_85 = arith.constant 0 : i32
    %get3A_86 = arith.index_cast %get3A_85 : i32 to index
    %get3A_87 = arith.constant 80 : index
    %get3A_88 = tpu.vector_load %arg5[%get3A_86, %get3A_87] {strides = array<i32>} : memref<2x512xi32, #tpu.memory_space<vmem>>, vector<1x16xi32>,
    %get3A_89 = vector.shape_cast %get3A_88 : vector<1x16xi32> to vector<16xi32>
    %add3A_90 = arith.addi %add3A_84, %get3A_89 : vector<16xi32>
    %get3A_91 = arith.constant 0 : i32
    %get3A_92 = arith.index_cast %get3A_91 : i32 to index
    %get3A_93 = arith.constant 96 : index
    %get3A_94 = tpu.vector_load %arg5[%get3A_92, %get3A_93] {strides = array<i32>} : memref<2x512xi32, #tpu.memory_space<vmem>>, vector<1x16xi32>,
    %get3A_95 = vector.shape_cast %get3A_94 : vector<1x16xi32> to vector<16xi32>
    %add3A_96 = arith.addi %add3A_90, %get3A_95 : vector<16xi32>
    %get3A_97 = arith.constant 0 : i32
    %get3A_98 = arith.index_cast %get3A_97 : i32 to index
    %get3A_99 = arith.constant 112 : index
    %get3A_100 = tpu.vector_load %arg5[%get3A_98, %get3A_99] {strides = array<i32>} : memref<2x512xi32, #tpu.memory_space<vmem>>, vector<1x16xi32>,
    %get3A_101 = vector.shape_cast %get3A_100 : vector<1x16xi32> to vector<16xi32>
    %add3A_102 = arith.addi %add3A_96, %get3A_101 : vector<16xi32>
    %get3A_103 = arith.constant 0 : i32
    %get3A_104 = arith.index_cast %get3A_103 : i32 to index
    %get3A_105 = arith.constant 128 : index
    %get3A_106 = tpu.vector_load %arg5[%get3A_104, %get3A_105] {strides = array<i32>} : memref<2x512xi32, #tpu.memory_space<vmem>>, vector<1x16xi32>,
    %get3A_107 = vector.shape_cast %get3A_106 : vector<1x16xi32> to vector<16xi32>
    %add3A_108 = arith.addi %add3A_102, %get3A_107 : vector<16xi32>
    %get3A_109 = arith.constant 0 : i32
    %get3A_110 = arith.index_cast %get3A_109 : i32 to index
    %get3A_111 = arith.constant 144 : index
    %get3A_112 = tpu.vector_load %arg5[%get3A_110, %get3A_111] {strides = array<i32>} : memref<2x512xi32, #tpu.memory_space<vmem>>, vector<1x16xi32>,
    %get3A_113 = vector.shape_cast %get3A_112 : vector<1x16xi32> to vector<16xi32>
    %add3A_114 = arith.addi %add3A_108, %get3A_113 : vector<16xi32>
    %get3A_115 = arith.constant 0 : i32
    %get3A_116 = arith.index_cast %get3A_115 : i32 to index
    %get3A_117 = arith.constant 160 : index
    %get3A_118 = tpu.vector_load %arg5[%get3A_116, %get3A_117] {strides = array<i32>} : memref<2x512xi32, #tpu.memory_space<vmem>>, vector<1x16xi32>,
    %get3A_119 = vector.shape_cast %get3A_118 : vector<1x16xi32> to vector<16xi32>
    %add3A_120 = arith.addi %add3A_114, %get3A_119 : vector<16xi32>
    %get3A_121 = arith.constant 0 : i32
    %get3A_122 = arith.index_cast %get3A_121 : i32 to index
    %get3A_123 = arith.constant 176 : index
    %get3A_124 = tpu.vector_load %arg5[%get3A_122, %get3A_123] {strides = array<i32>} : memref<2x512xi32, #tpu.memory_space<vmem>>, vector<1x16xi32>,
    %get3A_125 = vector.shape_cast %get3A_124 : vector<1x16xi32> to vector<16xi32>
    %add3A_126 = arith.addi %add3A_120, %get3A_125 : vector<16xi32>
    %get3A_127 = arith.constant 0 : i32
    %get3A_128 = arith.index_cast %get3A_127 : i32 to index
    %get3A_129 = arith.constant 192 : index
    %get3A_130 = tpu.vector_load %arg5[%get3A_128, %get3A_129] {strides = array<i32>} : memref<2x512xi32, #tpu.memory_space<vmem>>, vector<1x16xi32>,
    %get3A_131 = vector.shape_cast %get3A_130 : vector<1x16xi32> to vector<16xi32>
    %add3A_132 = arith.addi %add3A_126, %get3A_131 : vector<16xi32>
    %get3A_133 = arith.constant 0 : i32
    %get3A_134 = arith.index_cast %get3A_133 : i32 to index
    %get3A_135 = arith.constant 208 : index
    %get3A_136 = tpu.vector_load %arg5[%get3A_134, %get3A_135] {strides = array<i32>} : memref<2x512xi32, #tpu.memory_space<vmem>>, vector<1x16xi32>,
    %get3A_137 = vector.shape_cast %get3A_136 : vector<1x16xi32> to vector<16xi32>
    %add3A_138 = arith.addi %add3A_132, %get3A_137 : vector<16xi32>
    %get3A_139 = arith.constant 0 : i32
    %get3A_140 = arith.index_cast %get3A_139 : i32 to index
    %get3A_141 = arith.constant 224 : index
    %get3A_142 = tpu.vector_load %arg5[%get3A_140, %get3A_141] {strides = array<i32>} : memref<2x512xi32, #tpu.memory_space<vmem>>, vector<1x16xi32>,
    %get3A_143 = vector.shape_cast %get3A_142 : vector<1x16xi32> to vector<16xi32>
    %add3A_144 = arith.addi %add3A_138, %get3A_143 : vector<16xi32>
    %get3A_145 = arith.constant 0 : i32
    %get3A_146 = arith.index_cast %get3A_145 : i32 to index
    %get3A_147 = arith.constant 240 : index
    %get3A_148 = tpu.vector_load %arg5[%get3A_146, %get3A_147] {strides = array<i32>} : memref<2x512xi32, #tpu.memory_space<vmem>>, vector<1x16xi32>,
    %get3A_149 = vector.shape_cast %get3A_148 : vector<1x16xi32> to vector<16xi32>
    %add3A_150 = arith.addi %add3A_144, %get3A_149 : vector<16xi32>
    %get3A_151 = arith.constant 0 : i32
    %get3A_152 = arith.index_cast %get3A_151 : i32 to index
    %get3A_153 = arith.constant 256 : index
    %get3A_154 = tpu.vector_load %arg5[%get3A_152, %get3A_153] {strides = array<i32>} : memref<2x512xi32, #tpu.memory_space<vmem>>, vector<1x16xi32>,
    %get3A_155 = vector.shape_cast %get3A_154 : vector<1x16xi32> to vector<16xi32>
    %add3A_156 = arith.addi %add3A_150, %get3A_155 : vector<16xi32>
    %get3A_157 = arith.constant 0 : i32
    %get3A_158 = arith.index_cast %get3A_157 : i32 to index
    %get3A_159 = arith.constant 272 : index
    %get3A_160 = tpu.vector_load %arg5[%get3A_158, %get3A_159] {strides = array<i32>} : memref<2x512xi32, #tpu.memory_space<vmem>>, vector<1x16xi32>,
    %get3A_161 = vector.shape_cast %get3A_160 : vector<1x16xi32> to vector<16xi32>
    %add3A_162 = arith.addi %add3A_156, %get3A_161 : vector<16xi32>
    %get3A_163 = arith.constant 0 : i32
    %get3A_164 = arith.index_cast %get3A_163 : i32 to index
    %get3A_165 = arith.constant 288 : index
    %get3A_166 = tpu.vector_load %arg5[%get3A_164, %get3A_165] {strides = array<i32>} : memref<2x512xi32, #tpu.memory_space<vmem>>, vector<1x16xi32>,
    %get3A_167 = vector.shape_cast %get3A_166 : vector<1x16xi32> to vector<16xi32>
    %add3A_168 = arith.addi %add3A_162, %get3A_167 : vector<16xi32>
    %get3A_169 = arith.constant 0 : i32
    %get3A_170 = arith.index_cast %get3A_169 : i32 to index
    %get3A_171 = arith.constant 304 : index
    %get3A_172 = tpu.vector_load %arg5[%get3A_170, %get3A_171] {strides = array<i32>} : memref<2x512xi32, #tpu.memory_space<vmem>>, vector<1x16xi32>,
    %get3A_173 = vector.shape_cast %get3A_172 : vector<1x16xi32> to vector<16xi32>
    %add3A_174 = arith.addi %add3A_168, %get3A_173 : vector<16xi32>
    %get3A_175 = arith.constant 0 : i32
    %get3A_176 = arith.index_cast %get3A_175 : i32 to index
    %get3A_177 = arith.constant 320 : index
    %get3A_178 = tpu.vector_load %arg5[%get3A_176, %get3A_177] {strides = array<i32>} : memref<2x512xi32, #tpu.memory_space<vmem>>, vector<1x16xi32>,
    %get3A_179 = vector.shape_cast %get3A_178 : vector<1x16xi32> to vector<16xi32>
    %add3A_180 = arith.addi %add3A_174, %get3A_179 : vector<16xi32>
    %get3A_181 = arith.constant 0 : i32
    %get3A_182 = arith.index_cast %get3A_181 : i32 to index
    %get3A_183 = arith.constant 336 : index
    %get3A_184 = tpu.vector_load %arg5[%get3A_182, %get3A_183] {strides = array<i32>} : memref<2x512xi32, #tpu.memory_space<vmem>>, vector<1x16xi32>,
    %get3A_185 = vector.shape_cast %get3A_184 : vector<1x16xi32> to vector<16xi32>
    %add3A_186 = arith.addi %add3A_180, %get3A_185 : vector<16xi32>
    %get3A_187 = arith.constant 0 : i32
    %get3A_188 = arith.index_cast %get3A_187 : i32 to index
    %get3A_189 = arith.constant 352 : index
    %get3A_190 = tpu.vector_load %arg5[%get3A_188, %get3A_189] {strides = array<i32>} : memref<2x512xi32, #tpu.memory_space<vmem>>, vector<1x16xi32>,
    %get3A_191 = vector.shape_cast %get3A_190 : vector<1x16xi32> to vector<16xi32>
    %add3A_192 = arith.addi %add3A_186, %get3A_191 : vector<16xi32>
    %get3A_193 = arith.constant 0 : i32
    %get3A_194 = arith.index_cast %get3A_193 : i32 to index
    %get3A_195 = arith.constant 368 : index
    %get3A_196 = tpu.vector_load %arg5[%get3A_194, %get3A_195] {strides = array<i32>} : memref<2x512xi32, #tpu.memory_space<vmem>>, vector<1x16xi32>,
    %get3A_197 = vector.shape_cast %get3A_196 : vector<1x16xi32> to vector<16xi32>
    %add3A_198 = arith.addi %add3A_192, %get3A_197 : vector<16xi32>
    %get3A_199 = arith.constant 0 : i32
    %get3A_200 = arith.index_cast %get3A_199 : i32 to index
    %get3A_201 = arith.constant 384 : index
    %get3A_202 = tpu.vector_load %arg5[%get3A_200, %get3A_201] {strides = array<i32>} : memref<2x512xi32, #tpu.memory_space<vmem>>, vector<1x16xi32>,
    %get3A_203 = vector.shape_cast %get3A_202 : vector<1x16xi32> to vector<16xi32>
    %add3A_204 = arith.addi %add3A_198, %get3A_203 : vector<16xi32>
    %get3A_205 = arith.constant 0 : i32
    %get3A_206 = arith.index_cast %get3A_205 : i32 to index
    %get3A_207 = arith.constant 400 : index
    %get3A_208 = tpu.vector_load %arg5[%get3A_206, %get3A_207] {strides = array<i32>} : memref<2x512xi32, #tpu.memory_space<vmem>>, vector<1x16xi32>,
    %get3A_209 = vector.shape_cast %get3A_208 : vector<1x16xi32> to vector<16xi32>
    %add3A_210 = arith.addi %add3A_204, %get3A_209 : vector<16xi32>
    %get3A_211 = arith.constant 0 : i32
    %get3A_212 = arith.index_cast %get3A_211 : i32 to index
    %get3A_213 = arith.constant 416 : index
    %get3A_214 = tpu.vector_load %arg5[%get3A_212, %get3A_213] {strides = array<i32>} : memref<2x512xi32, #tpu.memory_space<vmem>>, vector<1x16xi32>,
    %get3A_215 = vector.shape_cast %get3A_214 : vector<1x16xi32> to vector<16xi32>
    %add3A_216 = arith.addi %add3A_210, %get3A_215 : vector<16xi32>
    %get3A_217 = arith.constant 0 : i32
    %get3A_218 = arith.index_cast %get3A_217 : i32 to index
    %get3A_219 = arith.constant 432 : index
    %get3A_220 = tpu.vector_load %arg5[%get3A_218, %get3A_219] {strides = array<i32>} : memref<2x512xi32, #tpu.memory_space<vmem>>, vector<1x16xi32>,
    %get3A_221 = vector.shape_cast %get3A_220 : vector<1x16xi32> to vector<16xi32>
    %add3A_222 = arith.addi %add3A_216, %get3A_221 : vector<16xi32>
    %get3A_223 = arith.constant 0 : i32
    %get3A_224 = arith.index_cast %get3A_223 : i32 to index
    %get3A_225 = arith.constant 448 : index
    %get3A_226 = tpu.vector_load %arg5[%get3A_224, %get3A_225] {strides = array<i32>} : memref<2x512xi32, #tpu.memory_space<vmem>>, vector<1x16xi32>,
    %get3A_227 = vector.shape_cast %get3A_226 : vector<1x16xi32> to vector<16xi32>
    %add3A_228 = arith.addi %add3A_222, %get3A_227 : vector<16xi32>
    %get3A_229 = arith.constant 0 : i32
    %get3A_230 = arith.index_cast %get3A_229 : i32 to index
    %get3A_231 = arith.constant 464 : index
    %get3A_232 = tpu.vector_load %arg5[%get3A_230, %get3A_231] {strides = array<i32>} : memref<2x512xi32, #tpu.memory_space<vmem>>, vector<1x16xi32>,
    %get3A_233 = vector.shape_cast %get3A_232 : vector<1x16xi32> to vector<16xi32>
    %add3A_234 = arith.addi %add3A_228, %get3A_233 : vector<16xi32>
    %get3A_235 = arith.constant 0 : i32
    %get3A_236 = arith.index_cast %get3A_235 : i32 to index
    %get3A_237 = arith.constant 480 : index
    %get3A_238 = tpu.vector_load %arg5[%get3A_236, %get3A_237] {strides = array<i32>} : memref<2x512xi32, #tpu.memory_space<vmem>>, vector<1x16xi32>,
    %get3A_239 = vector.shape_cast %get3A_238 : vector<1x16xi32> to vector<16xi32>
    %add3A_240 = arith.addi %add3A_234, %get3A_239 : vector<16xi32>
    %get3A_241 = arith.constant 0 : i32
    %get3A_242 = arith.index_cast %get3A_241 : i32 to index
    %get3A_243 = arith.constant 496 : index
    %get3A_244 = tpu.vector_load %arg5[%get3A_242, %get3A_243] {strides = array<i32>} : memref<2x512xi32, #tpu.memory_space<vmem>>, vector<1x16xi32>,
    %get3A_245 = vector.shape_cast %get3A_244 : vector<1x16xi32> to vector<16xi32>
    %add3A_246 = arith.addi %add3A_240, %get3A_245 : vector<16xi32>
    %xor3A = arith.constant 1 : i32
    %xor3A_247 = vector.broadcast %xor3A : i32 to vector<16xi32>
    %xor3A_248 = arith.xori %iota3A, %xor3A_247 : vector<16xi32>
    %lt3A = arith.constant 0 : i32
    %lt3A_249 = vector.broadcast %lt3A : i32 to vector<16xi32>
    %lt3A_250 = arith.cmpi slt, %xor3A_248, %lt3A_249 : vector<16xi32>
    %add3A_251 = arith.constant 16 : i32
    %add3A_252 = vector.broadcast %add3A_251 : i32 to vector<16xi32>
    %add3A_253 = arith.addi %xor3A_248, %add3A_252 : vector<16xi32>
    %select_n3A = arith.select %lt3A_250, %add3A_253, %xor3A_248 : vector<16xi1>, vector<16xi32>
    %broadcast_in_dim3A_254 = vector.shape_cast %select_n3A : vector<16xi32> to vector<16x1xi32>
    %gather3A = vector.shape_cast %broadcast_in_dim3A_254 : vector<16x1xi32> to vector<16xi32>
    %gather3A_255 = tpu.dynamic_gather %add3A_246[%gather3A] in [0] : vector<16xi32>, vector<16xi32> -> vector<16xi32>
    %add3A_256 = arith.addi %add3A_246, %gather3A_255 : vector<16xi32>
    %xor3A_257 = arith.constant 2 : i32
    %xor3A_258 = vector.broadcast %xor3A_257 : i32 to vector<16xi32>
    %xor3A_259 = arith.xori %iota3A, %xor3A_258 : vector<16xi32>
    %lt3A_260 = arith.constant 0 : i32
    %lt3A_261 = vector.broadcast %lt3A_260 : i32 to vector<16xi32>
    %lt3A_262 = arith.cmpi slt, %xor3A_259, %lt3A_261 : vector<16xi32>
    %add3A_263 = arith.constant 16 : i32
    %add3A_264 = vector.broadcast %add3A_263 : i32 to vector<16xi32>
    %add3A_265 = arith.addi %xor3A_259, %add3A_264 : vector<16xi32>
    %select_n3A_266 = arith.select %lt3A_262, %add3A_265, %xor3A_259 : vector<16xi1>, vector<16xi32>
    %broadcast_in_dim3A_267 = vector.shape_cast %select_n3A_266 : vector<16xi32> to vector<16x1xi32>
    %gather3A_268 = vector.shape_cast %broadcast_in_dim3A_267 : vector<16x1xi32> to vector<16xi32>
    %gather3A_269 = tpu.dynamic_gather %add3A_256[%gather3A_268] in [0] : vector<16xi32>, vector<16xi32> -> vector<16xi32>
    %add3A_270 = arith.addi %add3A_256, %gather3A_269 : vector<16xi32>
    %xor3A_271 = arith.constant 4 : i32
    %xor3A_272 = vector.broadcast %xor3A_271 : i32 to vector<16xi32>
    %xor3A_273 = arith.xori %iota3A, %xor3A_272 : vector<16xi32>
    %lt3A_274 = arith.constant 0 : i32
    %lt3A_275 = vector.broadcast %lt3A_274 : i32 to vector<16xi32>
    %lt3A_276 = arith.cmpi slt, %xor3A_273, %lt3A_275 : vector<16xi32>
    %add3A_277 = arith.constant 16 : i32
    %add3A_278 = vector.broadcast %add3A_277 : i32 to vector<16xi32>
    %add3A_279 = arith.addi %xor3A_273, %add3A_278 : vector<16xi32>
    %select_n3A_280 = arith.select %lt3A_276, %add3A_279, %xor3A_273 : vector<16xi1>, vector<16xi32>
    %broadcast_in_dim3A_281 = vector.shape_cast %select_n3A_280 : vector<16xi32> to vector<16x1xi32>
    %gather3A_282 = vector.shape_cast %broadcast_in_dim3A_281 : vector<16x1xi32> to vector<16xi32>
    %gather3A_283 = tpu.dynamic_gather %add3A_270[%gather3A_282] in [0] : vector<16xi32>, vector<16xi32> -> vector<16xi32>
    %add3A_284 = arith.addi %add3A_270, %gather3A_283 : vector<16xi32>
    %xor3A_285 = arith.constant 8 : i32
    %xor3A_286 = vector.broadcast %xor3A_285 : i32 to vector<16xi32>
    %xor3A_287 = arith.xori %iota3A, %xor3A_286 : vector<16xi32>
    %lt3A_288 = arith.constant 0 : i32
    %lt3A_289 = vector.broadcast %lt3A_288 : i32 to vector<16xi32>
    %lt3A_290 = arith.cmpi slt, %xor3A_287, %lt3A_289 : vector<16xi32>
    %add3A_291 = arith.constant 16 : i32
    %add3A_292 = vector.broadcast %add3A_291 : i32 to vector<16xi32>
    %add3A_293 = arith.addi %xor3A_287, %add3A_292 : vector<16xi32>
    %select_n3A_294 = arith.select %lt3A_290, %add3A_293, %xor3A_287 : vector<16xi1>, vector<16xi32>
    %broadcast_in_dim3A_295 = vector.shape_cast %select_n3A_294 : vector<16xi32> to vector<16x1xi32>
    %gather3A_296 = vector.shape_cast %broadcast_in_dim3A_295 : vector<16x1xi32> to vector<16xi32>
    %gather3A_297 = tpu.dynamic_gather %add3A_284[%gather3A_296] in [0] : vector<16xi32>, vector<16xi32> -> vector<16xi32>
    %add3A_298 = arith.addi %add3A_284, %gather3A_297 : vector<16xi32>
    %swap3A_299 = arith.constant 0 : i32
    %swap3A_300 = arith.index_cast %swap3A_299 : i32 to index
    %swap3A_301 = arith.constant 0 : index
    %swap3A_302 = tpu.vector_load %arg6[%swap3A_300, %swap3A_301] {strides = array<i32>} : memref<2x16xi32, #tpu.memory_space<vmem>>, vector<1x16xi32>,
    %swap3A_303 = vector.shape_cast %swap3A_302 : vector<1x16xi32> to vector<16xi32>
    %swap3A_304 = vector.shape_cast %add3A_298 : vector<16xi32> to vector<1x16xi32>
    tpu.vector_store %arg6[%swap3A_300, %swap3A_301], %swap3A_304 {strides = array<i32>} : memref<2x16xi32, #tpu.memory_space<vmem>>, vector<1x16xi32>,
    %get3A_305 = arith.constant 1 : i32
    %get3A_306 = arith.index_cast %get3A_305 : i32 to index
    %get3A_307 = arith.constant 0 : index
    %get3A_308 = tpu.vector_load %arg5[%get3A_306, %get3A_307] {strides = array<i32>} : memref<2x512xi32, #tpu.memory_space<vmem>>, vector<1x16xi32>,
    %get3A_309 = vector.shape_cast %get3A_308 : vector<1x16xi32> to vector<16xi32>
    %add3A_310 = arith.addi %broadcast_in_dim3A_7, %get3A_309 : vector<16xi32>
    %get3A_311 = arith.constant 1 : i32
    %get3A_312 = arith.index_cast %get3A_311 : i32 to index
    %get3A_313 = arith.constant 16 : index
    %get3A_314 = tpu.vector_load %arg5[%get3A_312, %get3A_313] {strides = array<i32>} : memref<2x512xi32, #tpu.memory_space<vmem>>, vector<1x16xi32>,
    %get3A_315 = vector.shape_cast %get3A_314 : vector<1x16xi32> to vector<16xi32>
    %add3A_316 = arith.addi %add3A_310, %get3A_315 : vector<16xi32>
    %get3A_317 = arith.constant 1 : i32
    %get3A_318 = arith.index_cast %get3A_317 : i32 to index
    %get3A_319 = arith.constant 32 : index
    %get3A_320 = tpu.vector_load %arg5[%get3A_318, %get3A_319] {strides = array<i32>} : memref<2x512xi32, #tpu.memory_space<vmem>>, vector<1x16xi32>,
    %get3A_321 = vector.shape_cast %get3A_320 : vector<1x16xi32> to vector<16xi32>
    %add3A_322 = arith.addi %add3A_316, %get3A_321 : vector<16xi32>
    %get3A_323 = arith.constant 1 : i32
    %get3A_324 = arith.index_cast %get3A_323 : i32 to index
    %get3A_325 = arith.constant 48 : index
    %get3A_326 = tpu.vector_load %arg5[%get3A_324, %get3A_325] {strides = array<i32>} : memref<2x512xi32, #tpu.memory_space<vmem>>, vector<1x16xi32>,
    %get3A_327 = vector.shape_cast %get3A_326 : vector<1x16xi32> to vector<16xi32>
    %add3A_328 = arith.addi %add3A_322, %get3A_327 : vector<16xi32>
    %get3A_329 = arith.constant 1 : i32
    %get3A_330 = arith.index_cast %get3A_329 : i32 to index
    %get3A_331 = arith.constant 64 : index
    %get3A_332 = tpu.vector_load %arg5[%get3A_330, %get3A_331] {strides = array<i32>} : memref<2x512xi32, #tpu.memory_space<vmem>>, vector<1x16xi32>,
    %get3A_333 = vector.shape_cast %get3A_332 : vector<1x16xi32> to vector<16xi32>
    %add3A_334 = arith.addi %add3A_328, %get3A_333 : vector<16xi32>
    %get3A_335 = arith.constant 1 : i32
    %get3A_336 = arith.index_cast %get3A_335 : i32 to index
    %get3A_337 = arith.constant 80 : index
    %get3A_338 = tpu.vector_load %arg5[%get3A_336, %get3A_337] {strides = array<i32>} : memref<2x512xi32, #tpu.memory_space<vmem>>, vector<1x16xi32>,
    %get3A_339 = vector.shape_cast %get3A_338 : vector<1x16xi32> to vector<16xi32>
    %add3A_340 = arith.addi %add3A_334, %get3A_339 : vector<16xi32>
    %get3A_341 = arith.constant 1 : i32
    %get3A_342 = arith.index_cast %get3A_341 : i32 to index
    %get3A_343 = arith.constant 96 : index
    %get3A_344 = tpu.vector_load %arg5[%get3A_342, %get3A_343] {strides = array<i32>} : memref<2x512xi32, #tpu.memory_space<vmem>>, vector<1x16xi32>,
    %get3A_345 = vector.shape_cast %get3A_344 : vector<1x16xi32> to vector<16xi32>
    %add3A_346 = arith.addi %add3A_340, %get3A_345 : vector<16xi32>
    %get3A_347 = arith.constant 1 : i32
    %get3A_348 = arith.index_cast %get3A_347 : i32 to index
    %get3A_349 = arith.constant 112 : index
    %get3A_350 = tpu.vector_load %arg5[%get3A_348, %get3A_349] {strides = array<i32>} : memref<2x512xi32, #tpu.memory_space<vmem>>, vector<1x16xi32>,
    %get3A_351 = vector.shape_cast %get3A_350 : vector<1x16xi32> to vector<16xi32>
    %add3A_352 = arith.addi %add3A_346, %get3A_351 : vector<16xi32>
    %get3A_353 = arith.constant 1 : i32
    %get3A_354 = arith.index_cast %get3A_353 : i32 to index
    %get3A_355 = arith.constant 128 : index
    %get3A_356 = tpu.vector_load %arg5[%get3A_354, %get3A_355] {strides = array<i32>} : memref<2x512xi32, #tpu.memory_space<vmem>>, vector<1x16xi32>,
    %get3A_357 = vector.shape_cast %get3A_356 : vector<1x16xi32> to vector<16xi32>
    %add3A_358 = arith.addi %add3A_352, %get3A_357 : vector<16xi32>
    %get3A_359 = arith.constant 1 : i32
    %get3A_360 = arith.index_cast %get3A_359 : i32 to index
    %get3A_361 = arith.constant 144 : index
    %get3A_362 = tpu.vector_load %arg5[%get3A_360, %get3A_361] {strides = array<i32>} : memref<2x512xi32, #tpu.memory_space<vmem>>, vector<1x16xi32>,
    %get3A_363 = vector.shape_cast %get3A_362 : vector<1x16xi32> to vector<16xi32>
    %add3A_364 = arith.addi %add3A_358, %get3A_363 : vector<16xi32>
    %get3A_365 = arith.constant 1 : i32
    %get3A_366 = arith.index_cast %get3A_365 : i32 to index
    %get3A_367 = arith.constant 160 : index
    %get3A_368 = tpu.vector_load %arg5[%get3A_366, %get3A_367] {strides = array<i32>} : memref<2x512xi32, #tpu.memory_space<vmem>>, vector<1x16xi32>,
    %get3A_369 = vector.shape_cast %get3A_368 : vector<1x16xi32> to vector<16xi32>
    %add3A_370 = arith.addi %add3A_364, %get3A_369 : vector<16xi32>
    %get3A_371 = arith.constant 1 : i32
    %get3A_372 = arith.index_cast %get3A_371 : i32 to index
    %get3A_373 = arith.constant 176 : index
    %get3A_374 = tpu.vector_load %arg5[%get3A_372, %get3A_373] {strides = array<i32>} : memref<2x512xi32, #tpu.memory_space<vmem>>, vector<1x16xi32>,
    %get3A_375 = vector.shape_cast %get3A_374 : vector<1x16xi32> to vector<16xi32>
    %add3A_376 = arith.addi %add3A_370, %get3A_375 : vector<16xi32>
    %get3A_377 = arith.constant 1 : i32
    %get3A_378 = arith.index_cast %get3A_377 : i32 to index
    %get3A_379 = arith.constant 192 : index
    %get3A_380 = tpu.vector_load %arg5[%get3A_378, %get3A_379] {strides = array<i32>} : memref<2x512xi32, #tpu.memory_space<vmem>>, vector<1x16xi32>,
    %get3A_381 = vector.shape_cast %get3A_380 : vector<1x16xi32> to vector<16xi32>
    %add3A_382 = arith.addi %add3A_376, %get3A_381 : vector<16xi32>
    %get3A_383 = arith.constant 1 : i32
    %get3A_384 = arith.index_cast %get3A_383 : i32 to index
    %get3A_385 = arith.constant 208 : index
    %get3A_386 = tpu.vector_load %arg5[%get3A_384, %get3A_385] {strides = array<i32>} : memref<2x512xi32, #tpu.memory_space<vmem>>, vector<1x16xi32>,
    %get3A_387 = vector.shape_cast %get3A_386 : vector<1x16xi32> to vector<16xi32>
    %add3A_388 = arith.addi %add3A_382, %get3A_387 : vector<16xi32>
    %get3A_389 = arith.constant 1 : i32
    %get3A_390 = arith.index_cast %get3A_389 : i32 to index
    %get3A_391 = arith.constant 224 : index
    %get3A_392 = tpu.vector_load %arg5[%get3A_390, %get3A_391] {strides = array<i32>} : memref<2x512xi32, #tpu.memory_space<vmem>>, vector<1x16xi32>,
    %get3A_393 = vector.shape_cast %get3A_392 : vector<1x16xi32> to vector<16xi32>
    %add3A_394 = arith.addi %add3A_388, %get3A_393 : vector<16xi32>
    %get3A_395 = arith.constant 1 : i32
    %get3A_396 = arith.index_cast %get3A_395 : i32 to index
    %get3A_397 = arith.constant 240 : index
    %get3A_398 = tpu.vector_load %arg5[%get3A_396, %get3A_397] {strides = array<i32>} : memref<2x512xi32, #tpu.memory_space<vmem>>, vector<1x16xi32>,
    %get3A_399 = vector.shape_cast %get3A_398 : vector<1x16xi32> to vector<16xi32>
    %add3A_400 = arith.addi %add3A_394, %get3A_399 : vector<16xi32>
    %get3A_401 = arith.constant 1 : i32
    %get3A_402 = arith.index_cast %get3A_401 : i32 to index
    %get3A_403 = arith.constant 256 : index
    %get3A_404 = tpu.vector_load %arg5[%get3A_402, %get3A_403] {strides = array<i32>} : memref<2x512xi32, #tpu.memory_space<vmem>>, vector<1x16xi32>,
    %get3A_405 = vector.shape_cast %get3A_404 : vector<1x16xi32> to vector<16xi32>
    %add3A_406 = arith.addi %add3A_400, %get3A_405 : vector<16xi32>
    %get3A_407 = arith.constant 1 : i32
    %get3A_408 = arith.index_cast %get3A_407 : i32 to index
    %get3A_409 = arith.constant 272 : index
    %get3A_410 = tpu.vector_load %arg5[%get3A_408, %get3A_409] {strides = array<i32>} : memref<2x512xi32, #tpu.memory_space<vmem>>, vector<1x16xi32>,
    %get3A_411 = vector.shape_cast %get3A_410 : vector<1x16xi32> to vector<16xi32>
    %add3A_412 = arith.addi %add3A_406, %get3A_411 : vector<16xi32>
    %get3A_413 = arith.constant 1 : i32
    %get3A_414 = arith.index_cast %get3A_413 : i32 to index
    %get3A_415 = arith.constant 288 : index
    %get3A_416 = tpu.vector_load %arg5[%get3A_414, %get3A_415] {strides = array<i32>} : memref<2x512xi32, #tpu.memory_space<vmem>>, vector<1x16xi32>,
    %get3A_417 = vector.shape_cast %get3A_416 : vector<1x16xi32> to vector<16xi32>
    %add3A_418 = arith.addi %add3A_412, %get3A_417 : vector<16xi32>
    %get3A_419 = arith.constant 1 : i32
    %get3A_420 = arith.index_cast %get3A_419 : i32 to index
    %get3A_421 = arith.constant 304 : index
    %get3A_422 = tpu.vector_load %arg5[%get3A_420, %get3A_421] {strides = array<i32>} : memref<2x512xi32, #tpu.memory_space<vmem>>, vector<1x16xi32>,
    %get3A_423 = vector.shape_cast %get3A_422 : vector<1x16xi32> to vector<16xi32>
    %add3A_424 = arith.addi %add3A_418, %get3A_423 : vector<16xi32>
    %get3A_425 = arith.constant 1 : i32
    %get3A_426 = arith.index_cast %get3A_425 : i32 to index
    %get3A_427 = arith.constant 320 : index
    %get3A_428 = tpu.vector_load %arg5[%get3A_426, %get3A_427] {strides = array<i32>} : memref<2x512xi32, #tpu.memory_space<vmem>>, vector<1x16xi32>,
    %get3A_429 = vector.shape_cast %get3A_428 : vector<1x16xi32> to vector<16xi32>
    %add3A_430 = arith.addi %add3A_424, %get3A_429 : vector<16xi32>
    %get3A_431 = arith.constant 1 : i32
    %get3A_432 = arith.index_cast %get3A_431 : i32 to index
    %get3A_433 = arith.constant 336 : index
    %get3A_434 = tpu.vector_load %arg5[%get3A_432, %get3A_433] {strides = array<i32>} : memref<2x512xi32, #tpu.memory_space<vmem>>, vector<1x16xi32>,
    %get3A_435 = vector.shape_cast %get3A_434 : vector<1x16xi32> to vector<16xi32>
    %add3A_436 = arith.addi %add3A_430, %get3A_435 : vector<16xi32>
    %get3A_437 = arith.constant 1 : i32
    %get3A_438 = arith.index_cast %get3A_437 : i32 to index
    %get3A_439 = arith.constant 352 : index
    %get3A_440 = tpu.vector_load %arg5[%get3A_438, %get3A_439] {strides = array<i32>} : memref<2x512xi32, #tpu.memory_space<vmem>>, vector<1x16xi32>,
    %get3A_441 = vector.shape_cast %get3A_440 : vector<1x16xi32> to vector<16xi32>
    %add3A_442 = arith.addi %add3A_436, %get3A_441 : vector<16xi32>
    %get3A_443 = arith.constant 1 : i32
    %get3A_444 = arith.index_cast %get3A_443 : i32 to index
    %get3A_445 = arith.constant 368 : index
    %get3A_446 = tpu.vector_load %arg5[%get3A_444, %get3A_445] {strides = array<i32>} : memref<2x512xi32, #tpu.memory_space<vmem>>, vector<1x16xi32>,
    %get3A_447 = vector.shape_cast %get3A_446 : vector<1x16xi32> to vector<16xi32>
    %add3A_448 = arith.addi %add3A_442, %get3A_447 : vector<16xi32>
    %get3A_449 = arith.constant 1 : i32
    %get3A_450 = arith.index_cast %get3A_449 : i32 to index
    %get3A_451 = arith.constant 384 : index
    %get3A_452 = tpu.vector_load %arg5[%get3A_450, %get3A_451] {strides = array<i32>} : memref<2x512xi32, #tpu.memory_space<vmem>>, vector<1x16xi32>,
    %get3A_453 = vector.shape_cast %get3A_452 : vector<1x16xi32> to vector<16xi32>
    %add3A_454 = arith.addi %add3A_448, %get3A_453 : vector<16xi32>
    %get3A_455 = arith.constant 1 : i32
    %get3A_456 = arith.index_cast %get3A_455 : i32 to index
    %get3A_457 = arith.constant 400 : index
    %get3A_458 = tpu.vector_load %arg5[%get3A_456, %get3A_457] {strides = array<i32>} : memref<2x512xi32, #tpu.memory_space<vmem>>, vector<1x16xi32>,
    %get3A_459 = vector.shape_cast %get3A_458 : vector<1x16xi32> to vector<16xi32>
    %add3A_460 = arith.addi %add3A_454, %get3A_459 : vector<16xi32>
    %get3A_461 = arith.constant 1 : i32
    %get3A_462 = arith.index_cast %get3A_461 : i32 to index
    %get3A_463 = arith.constant 416 : index
    %get3A_464 = tpu.vector_load %arg5[%get3A_462, %get3A_463] {strides = array<i32>} : memref<2x512xi32, #tpu.memory_space<vmem>>, vector<1x16xi32>,
    %get3A_465 = vector.shape_cast %get3A_464 : vector<1x16xi32> to vector<16xi32>
    %add3A_466 = arith.addi %add3A_460, %get3A_465 : vector<16xi32>
    %get3A_467 = arith.constant 1 : i32
    %get3A_468 = arith.index_cast %get3A_467 : i32 to index
    %get3A_469 = arith.constant 432 : index
    %get3A_470 = tpu.vector_load %arg5[%get3A_468, %get3A_469] {strides = array<i32>} : memref<2x512xi32, #tpu.memory_space<vmem>>, vector<1x16xi32>,
    %get3A_471 = vector.shape_cast %get3A_470 : vector<1x16xi32> to vector<16xi32>
    %add3A_472 = arith.addi %add3A_466, %get3A_471 : vector<16xi32>
    %get3A_473 = arith.constant 1 : i32
    %get3A_474 = arith.index_cast %get3A_473 : i32 to index
    %get3A_475 = arith.constant 448 : index
    %get3A_476 = tpu.vector_load %arg5[%get3A_474, %get3A_475] {strides = array<i32>} : memref<2x512xi32, #tpu.memory_space<vmem>>, vector<1x16xi32>,
    %get3A_477 = vector.shape_cast %get3A_476 : vector<1x16xi32> to vector<16xi32>
    %add3A_478 = arith.addi %add3A_472, %get3A_477 : vector<16xi32>
    %get3A_479 = arith.constant 1 : i32
    %get3A_480 = arith.index_cast %get3A_479 : i32 to index
    %get3A_481 = arith.constant 464 : index
    %get3A_482 = tpu.vector_load %arg5[%get3A_480, %get3A_481] {strides = array<i32>} : memref<2x512xi32, #tpu.memory_space<vmem>>, vector<1x16xi32>,
    %get3A_483 = vector.shape_cast %get3A_482 : vector<1x16xi32> to vector<16xi32>
    %add3A_484 = arith.addi %add3A_478, %get3A_483 : vector<16xi32>
    %get3A_485 = arith.constant 1 : i32
    %get3A_486 = arith.index_cast %get3A_485 : i32 to index
    %get3A_487 = arith.constant 480 : index
    %get3A_488 = tpu.vector_load %arg5[%get3A_486, %get3A_487] {strides = array<i32>} : memref<2x512xi32, #tpu.memory_space<vmem>>, vector<1x16xi32>,
    %get3A_489 = vector.shape_cast %get3A_488 : vector<1x16xi32> to vector<16xi32>
    %add3A_490 = arith.addi %add3A_484, %get3A_489 : vector<16xi32>
    %get3A_491 = arith.constant 1 : i32
    %get3A_492 = arith.index_cast %get3A_491 : i32 to index
    %get3A_493 = arith.constant 496 : index
    %get3A_494 = tpu.vector_load %arg5[%get3A_492, %get3A_493] {strides = array<i32>} : memref<2x512xi32, #tpu.memory_space<vmem>>, vector<1x16xi32>,
    %get3A_495 = vector.shape_cast %get3A_494 : vector<1x16xi32> to vector<16xi32>
    %add3A_496 = arith.addi %add3A_490, %get3A_495 : vector<16xi32>
    %xor3A_497 = arith.constant 1 : i32
    %xor3A_498 = vector.broadcast %xor3A_497 : i32 to vector<16xi32>
    %xor3A_499 = arith.xori %iota3A, %xor3A_498 : vector<16xi32>
    %lt3A_500 = arith.constant 0 : i32
    %lt3A_501 = vector.broadcast %lt3A_500 : i32 to vector<16xi32>
    %lt3A_502 = arith.cmpi slt, %xor3A_499, %lt3A_501 : vector<16xi32>
    %add3A_503 = arith.constant 16 : i32
    %add3A_504 = vector.broadcast %add3A_503 : i32 to vector<16xi32>
    %add3A_505 = arith.addi %xor3A_499, %add3A_504 : vector<16xi32>
    %select_n3A_506 = arith.select %lt3A_502, %add3A_505, %xor3A_499 : vector<16xi1>, vector<16xi32>
    %broadcast_in_dim3A_507 = vector.shape_cast %select_n3A_506 : vector<16xi32> to vector<16x1xi32>
    %gather3A_508 = vector.shape_cast %broadcast_in_dim3A_507 : vector<16x1xi32> to vector<16xi32>
    %gather3A_509 = tpu.dynamic_gather %add3A_496[%gather3A_508] in [0] : vector<16xi32>, vector<16xi32> -> vector<16xi32>
    %add3A_510 = arith.addi %add3A_496, %gather3A_509 : vector<16xi32>
    %xor3A_511 = arith.constant 2 : i32
    %xor3A_512 = vector.broadcast %xor3A_511 : i32 to vector<16xi32>
    %xor3A_513 = arith.xori %iota3A, %xor3A_512 : vector<16xi32>
    %lt3A_514 = arith.constant 0 : i32
    %lt3A_515 = vector.broadcast %lt3A_514 : i32 to vector<16xi32>
    %lt3A_516 = arith.cmpi slt, %xor3A_513, %lt3A_515 : vector<16xi32>
    %add3A_517 = arith.constant 16 : i32
    %add3A_518 = vector.broadcast %add3A_517 : i32 to vector<16xi32>
    %add3A_519 = arith.addi %xor3A_513, %add3A_518 : vector<16xi32>
    %select_n3A_520 = arith.select %lt3A_516, %add3A_519, %xor3A_513 : vector<16xi1>, vector<16xi32>
    %broadcast_in_dim3A_521 = vector.shape_cast %select_n3A_520 : vector<16xi32> to vector<16x1xi32>
    %gather3A_522 = vector.shape_cast %broadcast_in_dim3A_521 : vector<16x1xi32> to vector<16xi32>
    %gather3A_523 = tpu.dynamic_gather %add3A_510[%gather3A_522] in [0] : vector<16xi32>, vector<16xi32> -> vector<16xi32>
    %add3A_524 = arith.addi %add3A_510, %gather3A_523 : vector<16xi32>
    %xor3A_525 = arith.constant 4 : i32
    %xor3A_526 = vector.broadcast %xor3A_525 : i32 to vector<16xi32>
    %xor3A_527 = arith.xori %iota3A, %xor3A_526 : vector<16xi32>
    %lt3A_528 = arith.constant 0 : i32
    %lt3A_529 = vector.broadcast %lt3A_528 : i32 to vector<16xi32>
    %lt3A_530 = arith.cmpi slt, %xor3A_527, %lt3A_529 : vector<16xi32>
    %add3A_531 = arith.constant 16 : i32
    %add3A_532 = vector.broadcast %add3A_531 : i32 to vector<16xi32>
    %add3A_533 = arith.addi %xor3A_527, %add3A_532 : vector<16xi32>
    %select_n3A_534 = arith.select %lt3A_530, %add3A_533, %xor3A_527 : vector<16xi1>, vector<16xi32>
    %broadcast_in_dim3A_535 = vector.shape_cast %select_n3A_534 : vector<16xi32> to vector<16x1xi32>
    %gather3A_536 = vector.shape_cast %broadcast_in_dim3A_535 : vector<16x1xi32> to vector<16xi32>
    %gather3A_537 = tpu.dynamic_gather %add3A_524[%gather3A_536] in [0] : vector<16xi32>, vector<16xi32> -> vector<16xi32>
    %add3A_538 = arith.addi %add3A_524, %gather3A_537 : vector<16xi32>
    %xor3A_539 = arith.constant 8 : i32
    %xor3A_540 = vector.broadcast %xor3A_539 : i32 to vector<16xi32>
    %xor3A_541 = arith.xori %iota3A, %xor3A_540 : vector<16xi32>
    %lt3A_542 = arith.constant 0 : i32
    %lt3A_543 = vector.broadcast %lt3A_542 : i32 to vector<16xi32>
    %lt3A_544 = arith.cmpi slt, %xor3A_541, %lt3A_543 : vector<16xi32>
    %add3A_545 = arith.constant 16 : i32
    %add3A_546 = vector.broadcast %add3A_545 : i32 to vector<16xi32>
    %add3A_547 = arith.addi %xor3A_541, %add3A_546 : vector<16xi32>
    %select_n3A_548 = arith.select %lt3A_544, %add3A_547, %xor3A_541 : vector<16xi1>, vector<16xi32>
    %broadcast_in_dim3A_549 = vector.shape_cast %select_n3A_548 : vector<16xi32> to vector<16x1xi32>
    %gather3A_550 = vector.shape_cast %broadcast_in_dim3A_549 : vector<16x1xi32> to vector<16xi32>
    %gather3A_551 = tpu.dynamic_gather %add3A_538[%gather3A_550] in [0] : vector<16xi32>, vector<16xi32> -> vector<16xi32>
    %add3A_552 = arith.addi %add3A_538, %gather3A_551 : vector<16xi32>
    %swap3A_553 = arith.constant 1 : i32
    %swap3A_554 = arith.index_cast %swap3A_553 : i32 to index
    %swap3A_555 = arith.constant 0 : index
    %swap3A_556 = tpu.vector_load %arg6[%swap3A_554, %swap3A_555] {strides = array<i32>} : memref<2x16xi32, #tpu.memory_space<vmem>>, vector<1x16xi32>,
    %swap3A_557 = vector.shape_cast %swap3A_556 : vector<1x16xi32> to vector<16xi32>
    %swap3A_558 = vector.shape_cast %add3A_552 : vector<16xi32> to vector<1x16xi32>
    tpu.vector_store %arg6[%swap3A_554, %swap3A_555], %swap3A_558 {strides = array<i32>} : memref<2x16xi32, #tpu.memory_space<vmem>>, vector<1x16xi32>,
    %get3A_559 = arith.constant 0 : i32
    %get3A_560 = arith.index_cast %get3A_559 : i32 to index
    %get3A_561 = arith.constant 0 : index
    %get3A_562 = tpu.vector_load %arg6[%get3A_560, %get3A_561] {strides = array<i32>} : memref<2x16xi32, #tpu.memory_space<vmem>>, vector<1x16xi32>,
    %get3A_563 = vector.shape_cast %get3A_562 : vector<1x16xi32> to vector<16xi32>
    %slice3A = vector.extract_strided_slice %get3A_563 {offsets = [0], sizes = [1], strides = [1]} : vector<16xi32> to vector<1xi32>
    %squeeze3A = vector.extract %slice3A[0] : i32 from vector<1xi32>
    %get3A_564 = arith.constant 1 : i32
    %get3A_565 = arith.index_cast %get3A_564 : i32 to index
    %get3A_566 = arith.constant 0 : index
    %get3A_567 = tpu.vector_load %arg6[%get3A_565, %get3A_566] {strides = array<i32>} : memref<2x16xi32, #tpu.memory_space<vmem>>, vector<1x16xi32>,
    %get3A_568 = vector.shape_cast %get3A_567 : vector<1x16xi32> to vector<16xi32>
    %slice3A_569 = vector.extract_strided_slice %get3A_568 {offsets = [0], sizes = [1], strides = [1]} : vector<16xi32> to vector<1xi32>
    %squeeze3A_570 = vector.extract %slice3A_569[0] : i32 from vector<1xi32>
    %mul3A_571 = arith.constant 16 : i32
    %mul3A_572 = arith.muli %arg0, %mul3A_571 : i32
    %add3A_573 = arith.constant 0 : i32
    %add3A_574 = arith.addi %mul3A_572, %add3A_573 : i32
    %lt3A_575 = arith.cmpi slt, %arg1, %add3A_574 : i32
    %convert_element_type3A = arith.extui %lt3A_575 : i1 to i32
    %lt3A_576 = arith.cmpi slt, %add3A_9, %add3A_574 : i32
    %convert_element_type3A_577 = arith.extui %lt3A_576 : i1 to i32
    %mul3A_578 = arith.muli %convert_element_type3A, %squeeze3A : i32
    %mul3A_579 = arith.muli %convert_element_type3A_577, %squeeze3A_570 : i32
    %add3A_580 = arith.addi %mul3A_578, %mul3A_579 : i32
    %sc_fetch_and_add3A = arith.constant 0 : i32
    %sc_fetch_and_add3A_581 = arith.constant 0 : i32
    %sc_fetch_and_add3A_582 = tpu.fetch_and_add_sync %arg9[%sc_fetch_and_add3A], %add3A_580, %sc_fetch_and_add3A_581 : memref<1xi32, #tpu.memory_space<smem>>, i32 -> i32
    %mul3A_583 = arith.constant 16 : i32
    %mul3A_584 = arith.muli %arg0, %mul3A_583 : i32
    %add3A_585 = arith.constant 1 : i32
    %add3A_586 = arith.addi %mul3A_584, %add3A_585 : i32
    %lt3A_587 = arith.cmpi slt, %arg1, %add3A_586 : i32
    %convert_element_type3A_588 = arith.extui %lt3A_587 : i1 to i32
    %lt3A_589 = arith.cmpi slt, %add3A_9, %add3A_586 : i32
    %convert_element_type3A_590 = arith.extui %lt3A_589 : i1 to i32
    %mul3A_591 = arith.muli %convert_element_type3A_588, %squeeze3A : i32
    %mul3A_592 = arith.muli %convert_element_type3A_590, %squeeze3A_570 : i32
    %add3A_593 = arith.addi %mul3A_591, %mul3A_592 : i32
    %sc_fetch_and_add3A_594 = arith.constant 0 : i32
    %sc_fetch_and_add3A_595 = arith.constant 1 : i32
    %sc_fetch_and_add3A_596 = tpu.fetch_and_add_sync %arg9[%sc_fetch_and_add3A_594], %add3A_593, %sc_fetch_and_add3A_595 : memref<1xi32, #tpu.memory_space<smem>>, i32 -> i32
    %mul3A_597 = arith.constant 16 : i32
    %mul3A_598 = arith.muli %arg0, %mul3A_597 : i32
    %add3A_599 = arith.constant 2 : i32
    %add3A_600 = arith.addi %mul3A_598, %add3A_599 : i32
    %lt3A_601 = arith.cmpi slt, %arg1, %add3A_600 : i32
    %convert_element_type3A_602 = arith.extui %lt3A_601 : i1 to i32
    %lt3A_603 = arith.cmpi slt, %add3A_9, %add3A_600 : i32
    %convert_element_type3A_604 = arith.extui %lt3A_603 : i1 to i32
    %mul3A_605 = arith.muli %convert_element_type3A_602, %squeeze3A : i32
    %mul3A_606 = arith.muli %convert_element_type3A_604, %squeeze3A_570 : i32
    %add3A_607 = arith.addi %mul3A_605, %mul3A_606 : i32
    %sc_fetch_and_add3A_608 = arith.constant 0 : i32
    %sc_fetch_and_add3A_609 = arith.constant 2 : i32
    %sc_fetch_and_add3A_610 = tpu.fetch_and_add_sync %arg9[%sc_fetch_and_add3A_608], %add3A_607, %sc_fetch_and_add3A_609 : memref<1xi32, #tpu.memory_space<smem>>, i32 -> i32
    %mul3A_611 = arith.constant 16 : i32
    %mul3A_612 = arith.muli %arg0, %mul3A_611 : i32
    %add3A_613 = arith.constant 3 : i32
    %add3A_614 = arith.addi %mul3A_612, %add3A_613 : i32
    %lt3A_615 = arith.cmpi slt, %arg1, %add3A_614 : i32
    %convert_element_type3A_616 = arith.extui %lt3A_615 : i1 to i32
    %lt3A_617 = arith.cmpi slt, %add3A_9, %add3A_614 : i32
    %convert_element_type3A_618 = arith.extui %lt3A_617 : i1 to i32
    %mul3A_619 = arith.muli %convert_element_type3A_616, %squeeze3A : i32
    %mul3A_620 = arith.muli %convert_element_type3A_618, %squeeze3A_570 : i32
    %add3A_621 = arith.addi %mul3A_619, %mul3A_620 : i32
    %sc_fetch_and_add3A_622 = arith.constant 0 : i32
    %sc_fetch_and_add3A_623 = arith.constant 3 : i32
    %sc_fetch_and_add3A_624 = tpu.fetch_and_add_sync %arg9[%sc_fetch_and_add3A_622], %add3A_621, %sc_fetch_and_add3A_623 : memref<1xi32, #tpu.memory_space<smem>>, i32 -> i32
    %mul3A_625 = arith.constant 16 : i32
    %mul3A_626 = arith.muli %arg0, %mul3A_625 : i32
    %add3A_627 = arith.constant 4 : i32
    %add3A_628 = arith.addi %mul3A_626, %add3A_627 : i32
    %lt3A_629 = arith.cmpi slt, %arg1, %add3A_628 : i32
    %convert_element_type3A_630 = arith.extui %lt3A_629 : i1 to i32
    %lt3A_631 = arith.cmpi slt, %add3A_9, %add3A_628 : i32
    %convert_element_type3A_632 = arith.extui %lt3A_631 : i1 to i32
    %mul3A_633 = arith.muli %convert_element_type3A_630, %squeeze3A : i32
    %mul3A_634 = arith.muli %convert_element_type3A_632, %squeeze3A_570 : i32
    %add3A_635 = arith.addi %mul3A_633, %mul3A_634 : i32
    %sc_fetch_and_add3A_636 = arith.constant 0 : i32
    %sc_fetch_and_add3A_637 = arith.constant 4 : i32
    %sc_fetch_and_add3A_638 = tpu.fetch_and_add_sync %arg9[%sc_fetch_and_add3A_636], %add3A_635, %sc_fetch_and_add3A_637 : memref<1xi32, #tpu.memory_space<smem>>, i32 -> i32
    %mul3A_639 = arith.constant 16 : i32
    %mul3A_640 = arith.muli %arg0, %mul3A_639 : i32
    %add3A_641 = arith.constant 5 : i32
    %add3A_642 = arith.addi %mul3A_640, %add3A_641 : i32
    %lt3A_643 = arith.cmpi slt, %arg1, %add3A_642 : i32
    %convert_element_type3A_644 = arith.extui %lt3A_643 : i1 to i32
    %lt3A_645 = arith.cmpi slt, %add3A_9, %add3A_642 : i32
    %convert_element_type3A_646 = arith.extui %lt3A_645 : i1 to i32
    %mul3A_647 = arith.muli %convert_element_type3A_644, %squeeze3A : i32
    %mul3A_648 = arith.muli %convert_element_type3A_646, %squeeze3A_570 : i32
    %add3A_649 = arith.addi %mul3A_647, %mul3A_648 : i32
    %sc_fetch_and_add3A_650 = arith.constant 0 : i32
    %sc_fetch_and_add3A_651 = arith.constant 5 : i32
    %sc_fetch_and_add3A_652 = tpu.fetch_and_add_sync %arg9[%sc_fetch_and_add3A_650], %add3A_649, %sc_fetch_and_add3A_651 : memref<1xi32, #tpu.memory_space<smem>>, i32 -> i32
    %mul3A_653 = arith.constant 16 : i32
    %mul3A_654 = arith.muli %arg0, %mul3A_653 : i32
    %add3A_655 = arith.constant 6 : i32
    %add3A_656 = arith.addi %mul3A_654, %add3A_655 : i32
    %lt3A_657 = arith.cmpi slt, %arg1, %add3A_656 : i32
    %convert_element_type3A_658 = arith.extui %lt3A_657 : i1 to i32
    %lt3A_659 = arith.cmpi slt, %add3A_9, %add3A_656 : i32
    %convert_element_type3A_660 = arith.extui %lt3A_659 : i1 to i32
    %mul3A_661 = arith.muli %convert_element_type3A_658, %squeeze3A : i32
    %mul3A_662 = arith.muli %convert_element_type3A_660, %squeeze3A_570 : i32
    %add3A_663 = arith.addi %mul3A_661, %mul3A_662 : i32
    %sc_fetch_and_add3A_664 = arith.constant 0 : i32
    %sc_fetch_and_add3A_665 = arith.constant 6 : i32
    %sc_fetch_and_add3A_666 = tpu.fetch_and_add_sync %arg9[%sc_fetch_and_add3A_664], %add3A_663, %sc_fetch_and_add3A_665 : memref<1xi32, #tpu.memory_space<smem>>, i32 -> i32
    %mul3A_667 = arith.constant 16 : i32
    %mul3A_668 = arith.muli %arg0, %mul3A_667 : i32
    %add3A_669 = arith.constant 7 : i32
    %add3A_670 = arith.addi %mul3A_668, %add3A_669 : i32
    %lt3A_671 = arith.cmpi slt, %arg1, %add3A_670 : i32
    %convert_element_type3A_672 = arith.extui %lt3A_671 : i1 to i32
    %lt3A_673 = arith.cmpi slt, %add3A_9, %add3A_670 : i32
    %convert_element_type3A_674 = arith.extui %lt3A_673 : i1 to i32
    %mul3A_675 = arith.muli %convert_element_type3A_672, %squeeze3A : i32
    %mul3A_676 = arith.muli %convert_element_type3A_674, %squeeze3A_570 : i32
    %add3A_677 = arith.addi %mul3A_675, %mul3A_676 : i32
    %sc_fetch_and_add3A_678 = arith.constant 0 : i32
    %sc_fetch_and_add3A_679 = arith.constant 7 : i32
    %sc_fetch_and_add3A_680 = tpu.fetch_and_add_sync %arg9[%sc_fetch_and_add3A_678], %add3A_677, %sc_fetch_and_add3A_679 : memref<1xi32, #tpu.memory_space<smem>>, i32 -> i32
    %mul3A_681 = arith.constant 16 : i32
    %mul3A_682 = arith.muli %arg0, %mul3A_681 : i32
    %add3A_683 = arith.constant 8 : i32
    %add3A_684 = arith.addi %mul3A_682, %add3A_683 : i32
    %lt3A_685 = arith.cmpi slt, %arg1, %add3A_684 : i32
    %convert_element_type3A_686 = arith.extui %lt3A_685 : i1 to i32
    %lt3A_687 = arith.cmpi slt, %add3A_9, %add3A_684 : i32
    %convert_element_type3A_688 = arith.extui %lt3A_687 : i1 to i32
    %mul3A_689 = arith.muli %convert_element_type3A_686, %squeeze3A : i32
    %mul3A_690 = arith.muli %convert_element_type3A_688, %squeeze3A_570 : i32
    %add3A_691 = arith.addi %mul3A_689, %mul3A_690 : i32
    %sc_fetch_and_add3A_692 = arith.constant 0 : i32
    %sc_fetch_and_add3A_693 = arith.constant 8 : i32
    %sc_fetch_and_add3A_694 = tpu.fetch_and_add_sync %arg9[%sc_fetch_and_add3A_692], %add3A_691, %sc_fetch_and_add3A_693 : memref<1xi32, #tpu.memory_space<smem>>, i32 -> i32
    %mul3A_695 = arith.constant 16 : i32
    %mul3A_696 = arith.muli %arg0, %mul3A_695 : i32
    %add3A_697 = arith.constant 9 : i32
    %add3A_698 = arith.addi %mul3A_696, %add3A_697 : i32
    %lt3A_699 = arith.cmpi slt, %arg1, %add3A_698 : i32
    %convert_element_type3A_700 = arith.extui %lt3A_699 : i1 to i32
    %lt3A_701 = arith.cmpi slt, %add3A_9, %add3A_698 : i32
    %convert_element_type3A_702 = arith.extui %lt3A_701 : i1 to i32
    %mul3A_703 = arith.muli %convert_element_type3A_700, %squeeze3A : i32
    %mul3A_704 = arith.muli %convert_element_type3A_702, %squeeze3A_570 : i32
    %add3A_705 = arith.addi %mul3A_703, %mul3A_704 : i32
    %sc_fetch_and_add3A_706 = arith.constant 0 : i32
    %sc_fetch_and_add3A_707 = arith.constant 9 : i32
    %sc_fetch_and_add3A_708 = tpu.fetch_and_add_sync %arg9[%sc_fetch_and_add3A_706], %add3A_705, %sc_fetch_and_add3A_707 : memref<1xi32, #tpu.memory_space<smem>>, i32 -> i32
    %mul3A_709 = arith.constant 16 : i32
    %mul3A_710 = arith.muli %arg0, %mul3A_709 : i32
    %add3A_711 = arith.constant 10 : i32
    %add3A_712 = arith.addi %mul3A_710, %add3A_711 : i32
    %lt3A_713 = arith.cmpi slt, %arg1, %add3A_712 : i32
    %convert_element_type3A_714 = arith.extui %lt3A_713 : i1 to i32
    %lt3A_715 = arith.cmpi slt, %add3A_9, %add3A_712 : i32
    %convert_element_type3A_716 = arith.extui %lt3A_715 : i1 to i32
    %mul3A_717 = arith.muli %convert_element_type3A_714, %squeeze3A : i32
    %mul3A_718 = arith.muli %convert_element_type3A_716, %squeeze3A_570 : i32
    %add3A_719 = arith.addi %mul3A_717, %mul3A_718 : i32
    %sc_fetch_and_add3A_720 = arith.constant 0 : i32
    %sc_fetch_and_add3A_721 = arith.constant 10 : i32
    %sc_fetch_and_add3A_722 = tpu.fetch_and_add_sync %arg9[%sc_fetch_and_add3A_720], %add3A_719, %sc_fetch_and_add3A_721 : memref<1xi32, #tpu.memory_space<smem>>, i32 -> i32
    %mul3A_723 = arith.constant 16 : i32
    %mul3A_724 = arith.muli %arg0, %mul3A_723 : i32
    %add3A_725 = arith.constant 11 : i32
    %add3A_726 = arith.addi %mul3A_724, %add3A_725 : i32
    %lt3A_727 = arith.cmpi slt, %arg1, %add3A_726 : i32
    %convert_element_type3A_728 = arith.extui %lt3A_727 : i1 to i32
    %lt3A_729 = arith.cmpi slt, %add3A_9, %add3A_726 : i32
    %convert_element_type3A_730 = arith.extui %lt3A_729 : i1 to i32
    %mul3A_731 = arith.muli %convert_element_type3A_728, %squeeze3A : i32
    %mul3A_732 = arith.muli %convert_element_type3A_730, %squeeze3A_570 : i32
    %add3A_733 = arith.addi %mul3A_731, %mul3A_732 : i32
    %sc_fetch_and_add3A_734 = arith.constant 0 : i32
    %sc_fetch_and_add3A_735 = arith.constant 11 : i32
    %sc_fetch_and_add3A_736 = tpu.fetch_and_add_sync %arg9[%sc_fetch_and_add3A_734], %add3A_733, %sc_fetch_and_add3A_735 : memref<1xi32, #tpu.memory_space<smem>>, i32 -> i32
    %mul3A_737 = arith.constant 16 : i32
    %mul3A_738 = arith.muli %arg0, %mul3A_737 : i32
    %add3A_739 = arith.constant 12 : i32
    %add3A_740 = arith.addi %mul3A_738, %add3A_739 : i32
    %lt3A_741 = arith.cmpi slt, %arg1, %add3A_740 : i32
    %convert_element_type3A_742 = arith.extui %lt3A_741 : i1 to i32
    %lt3A_743 = arith.cmpi slt, %add3A_9, %add3A_740 : i32
    %convert_element_type3A_744 = arith.extui %lt3A_743 : i1 to i32
    %mul3A_745 = arith.muli %convert_element_type3A_742, %squeeze3A : i32
    %mul3A_746 = arith.muli %convert_element_type3A_744, %squeeze3A_570 : i32
    %add3A_747 = arith.addi %mul3A_745, %mul3A_746 : i32
    %sc_fetch_and_add3A_748 = arith.constant 0 : i32
    %sc_fetch_and_add3A_749 = arith.constant 12 : i32
    %sc_fetch_and_add3A_750 = tpu.fetch_and_add_sync %arg9[%sc_fetch_and_add3A_748], %add3A_747, %sc_fetch_and_add3A_749 : memref<1xi32, #tpu.memory_space<smem>>, i32 -> i32
    %mul3A_751 = arith.constant 16 : i32
    %mul3A_752 = arith.muli %arg0, %mul3A_751 : i32
    %add3A_753 = arith.constant 13 : i32
    %add3A_754 = arith.addi %mul3A_752, %add3A_753 : i32
    %lt3A_755 = arith.cmpi slt, %arg1, %add3A_754 : i32
    %convert_element_type3A_756 = arith.extui %lt3A_755 : i1 to i32
    %lt3A_757 = arith.cmpi slt, %add3A_9, %add3A_754 : i32
    %convert_element_type3A_758 = arith.extui %lt3A_757 : i1 to i32
    %mul3A_759 = arith.muli %convert_element_type3A_756, %squeeze3A : i32
    %mul3A_760 = arith.muli %convert_element_type3A_758, %squeeze3A_570 : i32
    %add3A_761 = arith.addi %mul3A_759, %mul3A_760 : i32
    %sc_fetch_and_add3A_762 = arith.constant 0 : i32
    %sc_fetch_and_add3A_763 = arith.constant 13 : i32
    %sc_fetch_and_add3A_764 = tpu.fetch_and_add_sync %arg9[%sc_fetch_and_add3A_762], %add3A_761, %sc_fetch_and_add3A_763 : memref<1xi32, #tpu.memory_space<smem>>, i32 -> i32
    %mul3A_765 = arith.constant 16 : i32
    %mul3A_766 = arith.muli %arg0, %mul3A_765 : i32
    %add3A_767 = arith.constant 14 : i32
    %add3A_768 = arith.addi %mul3A_766, %add3A_767 : i32
    %lt3A_769 = arith.cmpi slt, %arg1, %add3A_768 : i32
    %convert_element_type3A_770 = arith.extui %lt3A_769 : i1 to i32
    %lt3A_771 = arith.cmpi slt, %add3A_9, %add3A_768 : i32
    %convert_element_type3A_772 = arith.extui %lt3A_771 : i1 to i32
    %mul3A_773 = arith.muli %convert_element_type3A_770, %squeeze3A : i32
    %mul3A_774 = arith.muli %convert_element_type3A_772, %squeeze3A_570 : i32
    %add3A_775 = arith.addi %mul3A_773, %mul3A_774 : i32
    %sc_fetch_and_add3A_776 = arith.constant 0 : i32
    %sc_fetch_and_add3A_777 = arith.constant 14 : i32
    %sc_fetch_and_add3A_778 = tpu.fetch_and_add_sync %arg9[%sc_fetch_and_add3A_776], %add3A_775, %sc_fetch_and_add3A_777 : memref<1xi32, #tpu.memory_space<smem>>, i32 -> i32
    %mul3A_779 = arith.constant 16 : i32
    %mul3A_780 = arith.muli %arg0, %mul3A_779 : i32
    %add3A_781 = arith.constant 15 : i32
    %add3A_782 = arith.addi %mul3A_780, %add3A_781 : i32
    %lt3A_783 = arith.cmpi slt, %arg1, %add3A_782 : i32
    %convert_element_type3A_784 = arith.extui %lt3A_783 : i1 to i32
    %lt3A_785 = arith.cmpi slt, %add3A_9, %add3A_782 : i32
    %convert_element_type3A_786 = arith.extui %lt3A_785 : i1 to i32
    %mul3A_787 = arith.muli %convert_element_type3A_784, %squeeze3A : i32
    %mul3A_788 = arith.muli %convert_element_type3A_786, %squeeze3A_570 : i32
    %add3A_789 = arith.addi %mul3A_787, %mul3A_788 : i32
    %sc_fetch_and_add3A_790 = arith.constant 0 : i32
    %sc_fetch_and_add3A_791 = arith.constant 15 : i32
    %sc_fetch_and_add3A_792 = tpu.fetch_and_add_sync %arg9[%sc_fetch_and_add3A_790], %add3A_789, %sc_fetch_and_add3A_791 : memref<1xi32, #tpu.memory_space<smem>>, i32 -> i32
    %barrier3A_793 = arith.constant 0 : index
    tpu.barrier barrier_id(%barrier3A_793)
    %get3A_794 = arith.constant 0 : i32
    %get3A_795 = arith.index_cast %get3A_794 : i32 to index
    %get3A_796 = memref.load %arg9[%get3A_795] : memref<1xi32, #tpu.memory_space<smem>>
    %add3A_797 = vector.broadcast %get3A_796 : i32 to vector<16xi32>
    %add3A_798 = arith.addi %broadcast_in_dim3A_7, %add3A_797 : vector<16xi32>
    %mul3A_799 = arith.constant 512 : i32
    %mul3A_800 = arith.muli %add3A, %mul3A_799 : i32
    %scan3A = arith.constant 0 : i32
    %scan3A_801 = arith.constant 32 : i32
    %scan3A_802 = arith.addi %scan3A, %scan3A_801 : i32
    %scan3A_803 = arith.constant 1 : i32
    %scan3A_804 = scf.for %scan3A_1014 = %scan3A to %scan3A_802 step %scan3A_803 iter_args(%scan3A_1015 = %add3A_798) -> (vector<16xi32>)  : i32 {
      %mul3A_1016 = arith.constant 16 : i32
      %mul3A_1017 = arith.muli %scan3A_1014, %mul3A_1016 : i32
      %get3A_1018 = arith.index_cast %arg0 : i32 to index
      %get3A_1019 = arith.index_cast %mul3A_1017 : i32 to index
      %get3A_1020 = tpu.vector_load %arg5[%get3A_1018, %get3A_1019] {strides = array<i32>} : memref<2x512xi32, #tpu.memory_space<vmem>>, vector<1x16xi32>,
      %get3A_1021 = vector.shape_cast %get3A_1020 : vector<1x16xi32> to vector<16xi32>
      %shift_right_logical3A = arith.constant 0 : i32
      %shift_right_logical3A_1022 = vector.broadcast %shift_right_logical3A : i32 to vector<16xi32>
      %shift_right_logical3A_1023 = arith.shrui %iota3A, %shift_right_logical3A_1022 : vector<16xi32>
      %min3A = arith.constant 1 : i32
      %min3A_1024 = vector.broadcast %min3A : i32 to vector<16xi32>
      %min3A_1025 = arith.minsi %shift_right_logical3A_1023, %min3A_1024 : vector<16xi32>
      %sub3A_1026 = arith.constant 1 : i32
      %sub3A_1027 = vector.broadcast %sub3A_1026 : i32 to vector<16xi32>
      %sub3A_1028 = arith.subi %iota3A, %sub3A_1027 : vector<16xi32>
      %max3A = arith.constant 0 : i32
      %max3A_1029 = vector.broadcast %max3A : i32 to vector<16xi32>
      %max3A_1030 = arith.maxsi %sub3A_1028, %max3A_1029 : vector<16xi32>
      %lt3A_1031 = arith.constant 0 : i32
      %lt3A_1032 = vector.broadcast %lt3A_1031 : i32 to vector<16xi32>
      %lt3A_1033 = arith.cmpi slt, %max3A_1030, %lt3A_1032 : vector<16xi32>
      %add3A_1034 = arith.constant 16 : i32
      %add3A_1035 = vector.broadcast %add3A_1034 : i32 to vector<16xi32>
      %add3A_1036 = arith.addi %max3A_1030, %add3A_1035 : vector<16xi32>
      %select_n3A_1037 = arith.select %lt3A_1033, %add3A_1036, %max3A_1030 : vector<16xi1>, vector<16xi32>
      %broadcast_in_dim3A_1038 = vector.shape_cast %select_n3A_1037 : vector<16xi32> to vector<16x1xi32>
      %gather3A_1039 = vector.shape_cast %broadcast_in_dim3A_1038 : vector<16x1xi32> to vector<16xi32>
      %gather3A_1040 = tpu.dynamic_gather %get3A_1021[%gather3A_1039] in [0] : vector<16xi32>, vector<16xi32> -> vector<16xi32>
      %mul3A_1041 = arith.muli %gather3A_1040, %min3A_1025 : vector<16xi32>
      %add3A_1042 = arith.addi %get3A_1021, %mul3A_1041 : vector<16xi32>
      %shift_right_logical3A_1043 = arith.constant 1 : i32
      %shift_right_logical3A_1044 = vector.broadcast %shift_right_logical3A_1043 : i32 to vector<16xi32>
      %shift_right_logical3A_1045 = arith.shrui %iota3A, %shift_right_logical3A_1044 : vector<16xi32>
      %min3A_1046 = arith.constant 1 : i32
      %min3A_1047 = vector.broadcast %min3A_1046 : i32 to vector<16xi32>
      %min3A_1048 = arith.minsi %shift_right_logical3A_1045, %min3A_1047 : vector<16xi32>
      %sub3A_1049 = arith.constant 2 : i32
      %sub3A_1050 = vector.broadcast %sub3A_1049 : i32 to vector<16xi32>
      %sub3A_1051 = arith.subi %iota3A, %sub3A_1050 : vector<16xi32>
      %max3A_1052 = arith.constant 0 : i32
      %max3A_1053 = vector.broadcast %max3A_1052 : i32 to vector<16xi32>
      %max3A_1054 = arith.maxsi %sub3A_1051, %max3A_1053 : vector<16xi32>
      %lt3A_1055 = arith.constant 0 : i32
      %lt3A_1056 = vector.broadcast %lt3A_1055 : i32 to vector<16xi32>
      %lt3A_1057 = arith.cmpi slt, %max3A_1054, %lt3A_1056 : vector<16xi32>
      %add3A_1058 = arith.constant 16 : i32
      %add3A_1059 = vector.broadcast %add3A_1058 : i32 to vector<16xi32>
      %add3A_1060 = arith.addi %max3A_1054, %add3A_1059 : vector<16xi32>
      %select_n3A_1061 = arith.select %lt3A_1057, %add3A_1060, %max3A_1054 : vector<16xi1>, vector<16xi32>
      %broadcast_in_dim3A_1062 = vector.shape_cast %select_n3A_1061 : vector<16xi32> to vector<16x1xi32>
      %gather3A_1063 = vector.shape_cast %broadcast_in_dim3A_1062 : vector<16x1xi32> to vector<16xi32>
      %gather3A_1064 = tpu.dynamic_gather %add3A_1042[%gather3A_1063] in [0] : vector<16xi32>, vector<16xi32> -> vector<16xi32>
      %mul3A_1065 = arith.muli %gather3A_1064, %min3A_1048 : vector<16xi32>
      %add3A_1066 = arith.addi %add3A_1042, %mul3A_1065 : vector<16xi32>
      %shift_right_logical3A_1067 = arith.constant 2 : i32
      %shift_right_logical3A_1068 = vector.broadcast %shift_right_logical3A_1067 : i32 to vector<16xi32>
      %shift_right_logical3A_1069 = arith.shrui %iota3A, %shift_right_logical3A_1068 : vector<16xi32>
      %min3A_1070 = arith.constant 1 : i32
      %min3A_1071 = vector.broadcast %min3A_1070 : i32 to vector<16xi32>
      %min3A_1072 = arith.minsi %shift_right_logical3A_1069, %min3A_1071 : vector<16xi32>
      %sub3A_1073 = arith.constant 4 : i32
      %sub3A_1074 = vector.broadcast %sub3A_1073 : i32 to vector<16xi32>
      %sub3A_1075 = arith.subi %iota3A, %sub3A_1074 : vector<16xi32>
      %max3A_1076 = arith.constant 0 : i32
      %max3A_1077 = vector.broadcast %max3A_1076 : i32 to vector<16xi32>
      %max3A_1078 = arith.maxsi %sub3A_1075, %max3A_1077 : vector<16xi32>
      %lt3A_1079 = arith.constant 0 : i32
      %lt3A_1080 = vector.broadcast %lt3A_1079 : i32 to vector<16xi32>
      %lt3A_1081 = arith.cmpi slt, %max3A_1078, %lt3A_1080 : vector<16xi32>
      %add3A_1082 = arith.constant 16 : i32
      %add3A_1083 = vector.broadcast %add3A_1082 : i32 to vector<16xi32>
      %add3A_1084 = arith.addi %max3A_1078, %add3A_1083 : vector<16xi32>
      %select_n3A_1085 = arith.select %lt3A_1081, %add3A_1084, %max3A_1078 : vector<16xi1>, vector<16xi32>
      %broadcast_in_dim3A_1086 = vector.shape_cast %select_n3A_1085 : vector<16xi32> to vector<16x1xi32>
      %gather3A_1087 = vector.shape_cast %broadcast_in_dim3A_1086 : vector<16x1xi32> to vector<16xi32>
      %gather3A_1088 = tpu.dynamic_gather %add3A_1066[%gather3A_1087] in [0] : vector<16xi32>, vector<16xi32> -> vector<16xi32>
      %mul3A_1089 = arith.muli %gather3A_1088, %min3A_1072 : vector<16xi32>
      %add3A_1090 = arith.addi %add3A_1066, %mul3A_1089 : vector<16xi32>
      %shift_right_logical3A_1091 = arith.constant 3 : i32
      %shift_right_logical3A_1092 = vector.broadcast %shift_right_logical3A_1091 : i32 to vector<16xi32>
      %shift_right_logical3A_1093 = arith.shrui %iota3A, %shift_right_logical3A_1092 : vector<16xi32>
      %min3A_1094 = arith.constant 1 : i32
      %min3A_1095 = vector.broadcast %min3A_1094 : i32 to vector<16xi32>
      %min3A_1096 = arith.minsi %shift_right_logical3A_1093, %min3A_1095 : vector<16xi32>
      %sub3A_1097 = arith.constant 8 : i32
      %sub3A_1098 = vector.broadcast %sub3A_1097 : i32 to vector<16xi32>
      %sub3A_1099 = arith.subi %iota3A, %sub3A_1098 : vector<16xi32>
      %max3A_1100 = arith.constant 0 : i32
      %max3A_1101 = vector.broadcast %max3A_1100 : i32 to vector<16xi32>
      %max3A_1102 = arith.maxsi %sub3A_1099, %max3A_1101 : vector<16xi32>
      %lt3A_1103 = arith.constant 0 : i32
      %lt3A_1104 = vector.broadcast %lt3A_1103 : i32 to vector<16xi32>
      %lt3A_1105 = arith.cmpi slt, %max3A_1102, %lt3A_1104 : vector<16xi32>
      %add3A_1106 = arith.constant 16 : i32
      %add3A_1107 = vector.broadcast %add3A_1106 : i32 to vector<16xi32>
      %add3A_1108 = arith.addi %max3A_1102, %add3A_1107 : vector<16xi32>
      %select_n3A_1109 = arith.select %lt3A_1105, %add3A_1108, %max3A_1102 : vector<16xi1>, vector<16xi32>
      %broadcast_in_dim3A_1110 = vector.shape_cast %select_n3A_1109 : vector<16xi32> to vector<16x1xi32>
      %gather3A_1111 = vector.shape_cast %broadcast_in_dim3A_1110 : vector<16x1xi32> to vector<16xi32>
      %gather3A_1112 = tpu.dynamic_gather %add3A_1090[%gather3A_1111] in [0] : vector<16xi32>, vector<16xi32> -> vector<16xi32>
      %mul3A_1113 = arith.muli %gather3A_1112, %min3A_1096 : vector<16xi32>
      %add3A_1114 = arith.addi %add3A_1090, %mul3A_1113 : vector<16xi32>
      %add3A_1115 = arith.addi %add3A_1114, %scan3A_1015 : vector<16xi32>
      %sub3A_1116 = arith.constant 1 : i32
      %sub3A_1117 = vector.broadcast %sub3A_1116 : i32 to vector<16xi32>
      %sub3A_1118 = arith.subi %add3A_1115, %sub3A_1117 : vector<16xi32>
      %max3A_1119 = arith.constant 0 : i32
      %max3A_1120 = vector.broadcast %max3A_1119 : i32 to vector<16xi32>
      %max3A_1121 = arith.maxsi %sub3A_1118, %max3A_1120 : vector<16xi32>
      %shift_right_arithmetic3A = arith.constant 3 : i32
      %shift_right_arithmetic3A_1122 = arith.shrsi %scan3A_1014, %shift_right_arithmetic3A : i32
      %and3A = arith.constant 7 : i32
      %and3A_1123 = arith.andi %scan3A_1014, %and3A : i32
      %mul3A_1124 = arith.constant 16 : i32
      %mul3A_1125 = arith.muli %and3A_1123, %mul3A_1124 : i32
      %swap3A_1126 = arith.index_cast %shift_right_arithmetic3A_1122 : i32 to index
      %swap3A_1127 = arith.index_cast %mul3A_1125 : i32 to index
      %swap3A_1128 = tpu.vector_load %arg7[%swap3A_1126, %swap3A_1127] {strides = array<i32>} : memref<4x128xi32, #tpu.memory_space<vmem>>, vector<1x16xi32>,
      %swap3A_1129 = vector.shape_cast %swap3A_1128 : vector<1x16xi32> to vector<16xi32>
      %swap3A_1130 = vector.shape_cast %max3A_1121 : vector<16xi32> to vector<1x16xi32>
      tpu.vector_store %arg7[%swap3A_1126, %swap3A_1127], %swap3A_1130 {strides = array<i32>} : memref<4x128xi32, #tpu.memory_space<vmem>>, vector<1x16xi32>,
      %lt3A_1131 = arith.constant 0 : i32
      %lt3A_1132 = vector.broadcast %lt3A_1131 : i32 to vector<16xi32>
      %lt3A_1133 = arith.cmpi slt, %add3A_6, %lt3A_1132 : vector<16xi32>
      %add3A_1134 = arith.constant 16 : i32
      %add3A_1135 = vector.broadcast %add3A_1134 : i32 to vector<16xi32>
      %add3A_1136 = arith.addi %add3A_6, %add3A_1135 : vector<16xi32>
      %select_n3A_1137 = arith.select %lt3A_1133, %add3A_1136, %add3A_6 : vector<16xi1>, vector<16xi32>
      %broadcast_in_dim3A_1138 = vector.shape_cast %select_n3A_1137 : vector<16xi32> to vector<16x1xi32>
      %gather3A_1139 = vector.shape_cast %broadcast_in_dim3A_1138 : vector<16x1xi32> to vector<16xi32>
      %gather3A_1140 = tpu.dynamic_gather %add3A_1115[%gather3A_1139] in [0] : vector<16xi32>, vector<16xi32> -> vector<16xi32>
      scf.yield %gather3A_1140 : vector<16xi32>
    }
    %scan3A_805 = arith.constant 32 : i32
    %dma_start3A_806 = arith.constant 0 : i32
    %dma_start3A_807 = arith.constant 0 : i32
    %dma_start3A_808 = arith.constant 0 : i32
    %dma_start3A_809 = arith.constant 0 : i32
    %dma_start3A_810 = tpu.memref_slice %arg8[%dma_start3A_807, %dma_start3A_808, %dma_start3A_809] : memref<4x128x128xf32, #tpu.memory_space<vmem>> -> memref<1x128x128xf32, #tpu.memory_space<vmem>>
    %dma_start3A_811 = tpu.memref_squeeze %dma_start3A_810 : memref<1x128x128xf32, #tpu.memory_space<vmem>> -> memref<128x128xf32, #tpu.memory_space<vmem>>
    %dma_start3A_812 = arith.constant 0 : i32
    %dma_start3A_813 = tpu.memref_slice %arg7[%dma_start3A_806, %dma_start3A_812] : memref<4x128xi32, #tpu.memory_space<vmem>> -> memref<1x128xi32, #tpu.memory_space<vmem>>
    %dma_start3A_814 = tpu.memref_squeeze %dma_start3A_813 : memref<1x128xi32, #tpu.memory_space<vmem>> -> memref<128xi32, #tpu.memory_space<vmem>>
    %dma_start3A_815 = arith.constant 0 : i32
    %dma_start3A_816 = arith.constant 0 : i32
    %dma_start3A_817 = tpu.memref_slice %arg3[%dma_start3A_815, %dma_start3A_816] : memref<100000x128xf32, #tpu.memory_space<hbm>> -> memref<100000x128xf32, #tpu.memory_space<hbm>>
    tpu.enqueue_indirect_dma source(%dma_start3A_817 : memref<100000x128xf32, #tpu.memory_space<hbm>>) target(%dma_start3A_811 : memref<128x128xf32, #tpu.memory_space<vmem>>) offsets(%dma_start3A_814 : memref<128xi32, #tpu.memory_space<vmem>>) semaphore(%arg10 : memref<!tpu.dma_semaphore, #tpu.memory_space<semaphore_mem>>)
    %dma_start3A_818 = arith.constant 1 : i32
    %dma_start3A_819 = arith.constant 1 : i32
    %dma_start3A_820 = arith.constant 0 : i32
    %dma_start3A_821 = arith.constant 0 : i32
    %dma_start3A_822 = tpu.memref_slice %arg8[%dma_start3A_819, %dma_start3A_820, %dma_start3A_821] : memref<4x128x128xf32, #tpu.memory_space<vmem>> -> memref<1x128x128xf32, #tpu.memory_space<vmem>>
    %dma_start3A_823 = tpu.memref_squeeze %dma_start3A_822 : memref<1x128x128xf32, #tpu.memory_space<vmem>> -> memref<128x128xf32, #tpu.memory_space<vmem>>
    %dma_start3A_824 = arith.constant 0 : i32
    %dma_start3A_825 = tpu.memref_slice %arg7[%dma_start3A_818, %dma_start3A_824] : memref<4x128xi32, #tpu.memory_space<vmem>> -> memref<1x128xi32, #tpu.memory_space<vmem>>
    %dma_start3A_826 = tpu.memref_squeeze %dma_start3A_825 : memref<1x128xi32, #tpu.memory_space<vmem>> -> memref<128xi32, #tpu.memory_space<vmem>>
    %dma_start3A_827 = arith.constant 0 : i32
    %dma_start3A_828 = arith.constant 0 : i32
    %dma_start3A_829 = tpu.memref_slice %arg3[%dma_start3A_827, %dma_start3A_828] : memref<100000x128xf32, #tpu.memory_space<hbm>> -> memref<100000x128xf32, #tpu.memory_space<hbm>>
    tpu.enqueue_indirect_dma source(%dma_start3A_829 : memref<100000x128xf32, #tpu.memory_space<hbm>>) target(%dma_start3A_823 : memref<128x128xf32, #tpu.memory_space<vmem>>) offsets(%dma_start3A_826 : memref<128xi32, #tpu.memory_space<vmem>>) semaphore(%arg11 : memref<!tpu.dma_semaphore, #tpu.memory_space<semaphore_mem>>)
    %dma_start3A_830 = arith.constant 2 : i32
    %dma_start3A_831 = arith.constant 2 : i32
    %dma_start3A_832 = arith.constant 0 : i32
    %dma_start3A_833 = arith.constant 0 : i32
    %dma_start3A_834 = tpu.memref_slice %arg8[%dma_start3A_831, %dma_start3A_832, %dma_start3A_833] : memref<4x128x128xf32, #tpu.memory_space<vmem>> -> memref<1x128x128xf32, #tpu.memory_space<vmem>>
    %dma_start3A_835 = tpu.memref_squeeze %dma_start3A_834 : memref<1x128x128xf32, #tpu.memory_space<vmem>> -> memref<128x128xf32, #tpu.memory_space<vmem>>
    %dma_start3A_836 = arith.constant 0 : i32
    %dma_start3A_837 = tpu.memref_slice %arg7[%dma_start3A_830, %dma_start3A_836] : memref<4x128xi32, #tpu.memory_space<vmem>> -> memref<1x128xi32, #tpu.memory_space<vmem>>
    %dma_start3A_838 = tpu.memref_squeeze %dma_start3A_837 : memref<1x128xi32, #tpu.memory_space<vmem>> -> memref<128xi32, #tpu.memory_space<vmem>>
    %dma_start3A_839 = arith.constant 0 : i32
    %dma_start3A_840 = arith.constant 0 : i32
    %dma_start3A_841 = tpu.memref_slice %arg3[%dma_start3A_839, %dma_start3A_840] : memref<100000x128xf32, #tpu.memory_space<hbm>> -> memref<100000x128xf32, #tpu.memory_space<hbm>>
    tpu.enqueue_indirect_dma source(%dma_start3A_841 : memref<100000x128xf32, #tpu.memory_space<hbm>>) target(%dma_start3A_835 : memref<128x128xf32, #tpu.memory_space<vmem>>) offsets(%dma_start3A_838 : memref<128xi32, #tpu.memory_space<vmem>>) semaphore(%arg12 : memref<!tpu.dma_semaphore, #tpu.memory_space<semaphore_mem>>)
    %dma_start3A_842 = arith.constant 3 : i32
    %dma_start3A_843 = arith.constant 3 : i32
    %dma_start3A_844 = arith.constant 0 : i32
    %dma_start3A_845 = arith.constant 0 : i32
    %dma_start3A_846 = tpu.memref_slice %arg8[%dma_start3A_843, %dma_start3A_844, %dma_start3A_845] : memref<4x128x128xf32, #tpu.memory_space<vmem>> -> memref<1x128x128xf32, #tpu.memory_space<vmem>>
    %dma_start3A_847 = tpu.memref_squeeze %dma_start3A_846 : memref<1x128x128xf32, #tpu.memory_space<vmem>> -> memref<128x128xf32, #tpu.memory_space<vmem>>
    %dma_start3A_848 = arith.constant 0 : i32
    %dma_start3A_849 = tpu.memref_slice %arg7[%dma_start3A_842, %dma_start3A_848] : memref<4x128xi32, #tpu.memory_space<vmem>> -> memref<1x128xi32, #tpu.memory_space<vmem>>
    %dma_start3A_850 = tpu.memref_squeeze %dma_start3A_849 : memref<1x128xi32, #tpu.memory_space<vmem>> -> memref<128xi32, #tpu.memory_space<vmem>>
    %dma_start3A_851 = arith.constant 0 : i32
    %dma_start3A_852 = arith.constant 0 : i32
    %dma_start3A_853 = tpu.memref_slice %arg3[%dma_start3A_851, %dma_start3A_852] : memref<100000x128xf32, #tpu.memory_space<hbm>> -> memref<100000x128xf32, #tpu.memory_space<hbm>>
    tpu.enqueue_indirect_dma source(%dma_start3A_853 : memref<100000x128xf32, #tpu.memory_space<hbm>>) target(%dma_start3A_847 : memref<128x128xf32, #tpu.memory_space<vmem>>) offsets(%dma_start3A_850 : memref<128xi32, #tpu.memory_space<vmem>>) semaphore(%arg13 : memref<!tpu.dma_semaphore, #tpu.memory_space<semaphore_mem>>)
    %dma_wait3A_854 = arith.constant 0 : i32
    %dma_wait3A_855 = arith.constant 0 : i32
    %dma_wait3A_856 = arith.constant 0 : i32
    %dma_wait3A_857 = arith.constant 0 : i32
    %dma_wait3A_858 = tpu.memref_slice %arg8[%dma_wait3A_855, %dma_wait3A_856, %dma_wait3A_857] : memref<4x128x128xf32, #tpu.memory_space<vmem>> -> memref<1x128x128xf32, #tpu.memory_space<vmem>>
    %dma_wait3A_859 = tpu.memref_squeeze %dma_wait3A_858 : memref<1x128x128xf32, #tpu.memory_space<vmem>> -> memref<128x128xf32, #tpu.memory_space<vmem>>
    %dma_wait3A_860 = arith.constant 0 : i32
    %dma_wait3A_861 = tpu.memref_slice %arg7[%dma_wait3A_854, %dma_wait3A_860] : memref<4x128xi32, #tpu.memory_space<vmem>> -> memref<1x128xi32, #tpu.memory_space<vmem>>
    %dma_wait3A_862 = tpu.memref_squeeze %dma_wait3A_861 : memref<1x128xi32, #tpu.memory_space<vmem>> -> memref<128xi32, #tpu.memory_space<vmem>>
    %dma_wait3A_863 = arith.constant 0 : i32
    %dma_wait3A_864 = arith.constant 0 : i32
    %dma_wait3A_865 = tpu.memref_slice %arg3[%dma_wait3A_863, %dma_wait3A_864] : memref<100000x128xf32, #tpu.memory_space<hbm>> -> memref<100000x128xf32, #tpu.memory_space<hbm>>
    tpu.wait_indirect_dma semaphore(%arg10 : memref<!tpu.dma_semaphore, #tpu.memory_space<semaphore_mem>>) src(%dma_wait3A_865 : memref<100000x128xf32, #tpu.memory_space<hbm>>) dst(%dma_wait3A_859 : memref<128x128xf32, #tpu.memory_space<vmem>>)
    %add3A_866 = arith.constant 0 : i32
    %add3A_867 = arith.addi %mul3A_800, %add3A_866 : i32
    %dma_start3A_868 = arith.constant 0 : i32
    %dma_start3A_869 = arith.constant 0 : i32
    %dma_start3A_870 = arith.constant 0 : i32
    %dma_start3A_871 = tpu.memref_slice %arg8[%dma_start3A_868, %dma_start3A_869, %dma_start3A_870] : memref<4x128x128xf32, #tpu.memory_space<vmem>> -> memref<1x128x128xf32, #tpu.memory_space<vmem>>
    %dma_start3A_872 = tpu.memref_squeeze %dma_start3A_871 : memref<1x128x128xf32, #tpu.memory_space<vmem>> -> memref<128x128xf32, #tpu.memory_space<vmem>>
    %dma_start3A_873 = arith.constant 0 : i32
    %dma_start3A_874 = tpu.memref_slice %arg4[%add3A_867, %dma_start3A_873] : memref<16384x128xf32, #tpu.memory_space<hbm>> -> memref<128x128xf32, #tpu.memory_space<hbm>>
    %dma_start3A_875 = arith.constant 0 : i32
    %dma_start3A_876 = tpu.memref_slice %arg4[%add3A_867, %dma_start3A_875] : memref<16384x128xf32, #tpu.memory_space<hbm>> -> memref<128x128xf32, #tpu.memory_space<hbm>>
    %dma_start3A_877 = arith.constant 0 : i32
    %dma_start3A_878 = arith.constant 0 : i32
    %dma_start3A_879 = tpu.memref_slice %arg8[%dma_start3A_868, %dma_start3A_877, %dma_start3A_878] : memref<4x128x128xf32, #tpu.memory_space<vmem>> -> memref<1x128x128xf32, #tpu.memory_space<vmem>>
    %dma_start3A_880 = tpu.memref_squeeze %dma_start3A_879 : memref<1x128x128xf32, #tpu.memory_space<vmem>> -> memref<128x128xf32, #tpu.memory_space<vmem>>
    tpu.enqueue_dma source(%dma_start3A_880 : memref<128x128xf32, #tpu.memory_space<vmem>>) target(%dma_start3A_876 : memref<128x128xf32, #tpu.memory_space<hbm>>) target_semaphore(%arg14 : memref<!tpu.dma_semaphore, #tpu.memory_space<semaphore_mem>>)
    %dma_wait3A_881 = arith.constant 1 : i32
    %dma_wait3A_882 = arith.constant 1 : i32
    %dma_wait3A_883 = arith.constant 0 : i32
    %dma_wait3A_884 = arith.constant 0 : i32
    %dma_wait3A_885 = tpu.memref_slice %arg8[%dma_wait3A_882, %dma_wait3A_883, %dma_wait3A_884] : memref<4x128x128xf32, #tpu.memory_space<vmem>> -> memref<1x128x128xf32, #tpu.memory_space<vmem>>
    %dma_wait3A_886 = tpu.memref_squeeze %dma_wait3A_885 : memref<1x128x128xf32, #tpu.memory_space<vmem>> -> memref<128x128xf32, #tpu.memory_space<vmem>>
    %dma_wait3A_887 = arith.constant 0 : i32
    %dma_wait3A_888 = tpu.memref_slice %arg7[%dma_wait3A_881, %dma_wait3A_887] : memref<4x128xi32, #tpu.memory_space<vmem>> -> memref<1x128xi32, #tpu.memory_space<vmem>>
    %dma_wait3A_889 = tpu.memref_squeeze %dma_wait3A_888 : memref<1x128xi32, #tpu.memory_space<vmem>> -> memref<128xi32, #tpu.memory_space<vmem>>
    %dma_wait3A_890 = arith.constant 0 : i32
    %dma_wait3A_891 = arith.constant 0 : i32
    %dma_wait3A_892 = tpu.memref_slice %arg3[%dma_wait3A_890, %dma_wait3A_891] : memref<100000x128xf32, #tpu.memory_space<hbm>> -> memref<100000x128xf32, #tpu.memory_space<hbm>>
    tpu.wait_indirect_dma semaphore(%arg11 : memref<!tpu.dma_semaphore, #tpu.memory_space<semaphore_mem>>) src(%dma_wait3A_892 : memref<100000x128xf32, #tpu.memory_space<hbm>>) dst(%dma_wait3A_886 : memref<128x128xf32, #tpu.memory_space<vmem>>)
    %add3A_893 = arith.constant 128 : i32
    %add3A_894 = arith.addi %mul3A_800, %add3A_893 : i32
    %dma_start3A_895 = arith.constant 1 : i32
    %dma_start3A_896 = arith.constant 0 : i32
    %dma_start3A_897 = arith.constant 0 : i32
    %dma_start3A_898 = tpu.memref_slice %arg8[%dma_start3A_895, %dma_start3A_896, %dma_start3A_897] : memref<4x128x128xf32, #tpu.memory_space<vmem>> -> memref<1x128x128xf32, #tpu.memory_space<vmem>>
    %dma_start3A_899 = tpu.memref_squeeze %dma_start3A_898 : memref<1x128x128xf32, #tpu.memory_space<vmem>> -> memref<128x128xf32, #tpu.memory_space<vmem>>
    %dma_start3A_900 = arith.constant 0 : i32
    %dma_start3A_901 = tpu.memref_slice %arg4[%add3A_894, %dma_start3A_900] : memref<16384x128xf32, #tpu.memory_space<hbm>> -> memref<128x128xf32, #tpu.memory_space<hbm>>
    %dma_start3A_902 = arith.constant 0 : i32
    %dma_start3A_903 = tpu.memref_slice %arg4[%add3A_894, %dma_start3A_902] : memref<16384x128xf32, #tpu.memory_space<hbm>> -> memref<128x128xf32, #tpu.memory_space<hbm>>
    %dma_start3A_904 = arith.constant 0 : i32
    %dma_start3A_905 = arith.constant 0 : i32
    %dma_start3A_906 = tpu.memref_slice %arg8[%dma_start3A_895, %dma_start3A_904, %dma_start3A_905] : memref<4x128x128xf32, #tpu.memory_space<vmem>> -> memref<1x128x128xf32, #tpu.memory_space<vmem>>
    %dma_start3A_907 = tpu.memref_squeeze %dma_start3A_906 : memref<1x128x128xf32, #tpu.memory_space<vmem>> -> memref<128x128xf32, #tpu.memory_space<vmem>>
    tpu.enqueue_dma source(%dma_start3A_907 : memref<128x128xf32, #tpu.memory_space<vmem>>) target(%dma_start3A_903 : memref<128x128xf32, #tpu.memory_space<hbm>>) target_semaphore(%arg14 : memref<!tpu.dma_semaphore, #tpu.memory_space<semaphore_mem>>)
    %dma_wait3A_908 = arith.constant 2 : i32
    %dma_wait3A_909 = arith.constant 2 : i32
    %dma_wait3A_910 = arith.constant 0 : i32
    %dma_wait3A_911 = arith.constant 0 : i32
    %dma_wait3A_912 = tpu.memref_slice %arg8[%dma_wait3A_909, %dma_wait3A_910, %dma_wait3A_911] : memref<4x128x128xf32, #tpu.memory_space<vmem>> -> memref<1x128x128xf32, #tpu.memory_space<vmem>>
    %dma_wait3A_913 = tpu.memref_squeeze %dma_wait3A_912 : memref<1x128x128xf32, #tpu.memory_space<vmem>> -> memref<128x128xf32, #tpu.memory_space<vmem>>
    %dma_wait3A_914 = arith.constant 0 : i32
    %dma_wait3A_915 = tpu.memref_slice %arg7[%dma_wait3A_908, %dma_wait3A_914] : memref<4x128xi32, #tpu.memory_space<vmem>> -> memref<1x128xi32, #tpu.memory_space<vmem>>
    %dma_wait3A_916 = tpu.memref_squeeze %dma_wait3A_915 : memref<1x128xi32, #tpu.memory_space<vmem>> -> memref<128xi32, #tpu.memory_space<vmem>>
    %dma_wait3A_917 = arith.constant 0 : i32
    %dma_wait3A_918 = arith.constant 0 : i32
    %dma_wait3A_919 = tpu.memref_slice %arg3[%dma_wait3A_917, %dma_wait3A_918] : memref<100000x128xf32, #tpu.memory_space<hbm>> -> memref<100000x128xf32, #tpu.memory_space<hbm>>
    tpu.wait_indirect_dma semaphore(%arg12 : memref<!tpu.dma_semaphore, #tpu.memory_space<semaphore_mem>>) src(%dma_wait3A_919 : memref<100000x128xf32, #tpu.memory_space<hbm>>) dst(%dma_wait3A_913 : memref<128x128xf32, #tpu.memory_space<vmem>>)
    %add3A_920 = arith.constant 256 : i32
    %add3A_921 = arith.addi %mul3A_800, %add3A_920 : i32
    %dma_start3A_922 = arith.constant 2 : i32
    %dma_start3A_923 = arith.constant 0 : i32
    %dma_start3A_924 = arith.constant 0 : i32
    %dma_start3A_925 = tpu.memref_slice %arg8[%dma_start3A_922, %dma_start3A_923, %dma_start3A_924] : memref<4x128x128xf32, #tpu.memory_space<vmem>> -> memref<1x128x128xf32, #tpu.memory_space<vmem>>
    %dma_start3A_926 = tpu.memref_squeeze %dma_start3A_925 : memref<1x128x128xf32, #tpu.memory_space<vmem>> -> memref<128x128xf32, #tpu.memory_space<vmem>>
    %dma_start3A_927 = arith.constant 0 : i32
    %dma_start3A_928 = tpu.memref_slice %arg4[%add3A_921, %dma_start3A_927] : memref<16384x128xf32, #tpu.memory_space<hbm>> -> memref<128x128xf32, #tpu.memory_space<hbm>>
    %dma_start3A_929 = arith.constant 0 : i32
    %dma_start3A_930 = tpu.memref_slice %arg4[%add3A_921, %dma_start3A_929] : memref<16384x128xf32, #tpu.memory_space<hbm>> -> memref<128x128xf32, #tpu.memory_space<hbm>>
    %dma_start3A_931 = arith.constant 0 : i32
    %dma_start3A_932 = arith.constant 0 : i32
    %dma_start3A_933 = tpu.memref_slice %arg8[%dma_start3A_922, %dma_start3A_931, %dma_start3A_932] : memref<4x128x128xf32, #tpu.memory_space<vmem>> -> memref<1x128x128xf32, #tpu.memory_space<vmem>>
    %dma_start3A_934 = tpu.memref_squeeze %dma_start3A_933 : memref<1x128x128xf32, #tpu.memory_space<vmem>> -> memref<128x128xf32, #tpu.memory_space<vmem>>
    tpu.enqueue_dma source(%dma_start3A_934 : memref<128x128xf32, #tpu.memory_space<vmem>>) target(%dma_start3A_930 : memref<128x128xf32, #tpu.memory_space<hbm>>) target_semaphore(%arg14 : memref<!tpu.dma_semaphore, #tpu.memory_space<semaphore_mem>>)
    %dma_wait3A_935 = arith.constant 3 : i32
    %dma_wait3A_936 = arith.constant 3 : i32
    %dma_wait3A_937 = arith.constant 0 : i32
    %dma_wait3A_938 = arith.constant 0 : i32
    %dma_wait3A_939 = tpu.memref_slice %arg8[%dma_wait3A_936, %dma_wait3A_937, %dma_wait3A_938] : memref<4x128x128xf32, #tpu.memory_space<vmem>> -> memref<1x128x128xf32, #tpu.memory_space<vmem>>
    %dma_wait3A_940 = tpu.memref_squeeze %dma_wait3A_939 : memref<1x128x128xf32, #tpu.memory_space<vmem>> -> memref<128x128xf32, #tpu.memory_space<vmem>>
    %dma_wait3A_941 = arith.constant 0 : i32
    %dma_wait3A_942 = tpu.memref_slice %arg7[%dma_wait3A_935, %dma_wait3A_941] : memref<4x128xi32, #tpu.memory_space<vmem>> -> memref<1x128xi32, #tpu.memory_space<vmem>>
    %dma_wait3A_943 = tpu.memref_squeeze %dma_wait3A_942 : memref<1x128xi32, #tpu.memory_space<vmem>> -> memref<128xi32, #tpu.memory_space<vmem>>
    %dma_wait3A_944 = arith.constant 0 : i32
    %dma_wait3A_945 = arith.constant 0 : i32
    %dma_wait3A_946 = tpu.memref_slice %arg3[%dma_wait3A_944, %dma_wait3A_945] : memref<100000x128xf32, #tpu.memory_space<hbm>> -> memref<100000x128xf32, #tpu.memory_space<hbm>>
    tpu.wait_indirect_dma semaphore(%arg13 : memref<!tpu.dma_semaphore, #tpu.memory_space<semaphore_mem>>) src(%dma_wait3A_946 : memref<100000x128xf32, #tpu.memory_space<hbm>>) dst(%dma_wait3A_940 : memref<128x128xf32, #tpu.memory_space<vmem>>)
    %add3A_947 = arith.constant 384 : i32
    %add3A_948 = arith.addi %mul3A_800, %add3A_947 : i32
    %dma_start3A_949 = arith.constant 3 : i32
    %dma_start3A_950 = arith.constant 0 : i32
    %dma_start3A_951 = arith.constant 0 : i32
    %dma_start3A_952 = tpu.memref_slice %arg8[%dma_start3A_949, %dma_start3A_950, %dma_start3A_951] : memref<4x128x128xf32, #tpu.memory_space<vmem>> -> memref<1x128x128xf32, #tpu.memory_space<vmem>>
    %dma_start3A_953 = tpu.memref_squeeze %dma_start3A_952 : memref<1x128x128xf32, #tpu.memory_space<vmem>> -> memref<128x128xf32, #tpu.memory_space<vmem>>
    %dma_start3A_954 = arith.constant 0 : i32
    %dma_start3A_955 = tpu.memref_slice %arg4[%add3A_948, %dma_start3A_954] : memref<16384x128xf32, #tpu.memory_space<hbm>> -> memref<128x128xf32, #tpu.memory_space<hbm>>
    %dma_start3A_956 = arith.constant 0 : i32
    %dma_start3A_957 = tpu.memref_slice %arg4[%add3A_948, %dma_start3A_956] : memref<16384x128xf32, #tpu.memory_space<hbm>> -> memref<128x128xf32, #tpu.memory_space<hbm>>
    %dma_start3A_958 = arith.constant 0 : i32
    %dma_start3A_959 = arith.constant 0 : i32
    %dma_start3A_960 = tpu.memref_slice %arg8[%dma_start3A_949, %dma_start3A_958, %dma_start3A_959] : memref<4x128x128xf32, #tpu.memory_space<vmem>> -> memref<1x128x128xf32, #tpu.memory_space<vmem>>
    %dma_start3A_961 = tpu.memref_squeeze %dma_start3A_960 : memref<1x128x128xf32, #tpu.memory_space<vmem>> -> memref<128x128xf32, #tpu.memory_space<vmem>>
    tpu.enqueue_dma source(%dma_start3A_961 : memref<128x128xf32, #tpu.memory_space<vmem>>) target(%dma_start3A_957 : memref<128x128xf32, #tpu.memory_space<hbm>>) target_semaphore(%arg14 : memref<!tpu.dma_semaphore, #tpu.memory_space<semaphore_mem>>)
    %dma_wait3A_962 = arith.constant 0 : i32
    %dma_wait3A_963 = arith.constant 0 : i32
    %dma_wait3A_964 = arith.constant 0 : i32
    %dma_wait3A_965 = tpu.memref_slice %arg8[%dma_wait3A_962, %dma_wait3A_963, %dma_wait3A_964] : memref<4x128x128xf32, #tpu.memory_space<vmem>> -> memref<1x128x128xf32, #tpu.memory_space<vmem>>
    %dma_wait3A_966 = tpu.memref_squeeze %dma_wait3A_965 : memref<1x128x128xf32, #tpu.memory_space<vmem>> -> memref<128x128xf32, #tpu.memory_space<vmem>>
    %dma_wait3A_967 = arith.constant 0 : i32
    %dma_wait3A_968 = tpu.memref_slice %arg4[%add3A_867, %dma_wait3A_967] : memref<16384x128xf32, #tpu.memory_space<hbm>> -> memref<128x128xf32, #tpu.memory_space<hbm>>
    %dma_wait3A_969 = arith.constant 0 : i32
    %dma_wait3A_970 = tpu.memref_slice %arg4[%add3A_867, %dma_wait3A_969] : memref<16384x128xf32, #tpu.memory_space<hbm>> -> memref<128x128xf32, #tpu.memory_space<hbm>>
    %dma_wait3A_971 = arith.constant 0 : i32
    %dma_wait3A_972 = arith.constant 0 : i32
    %dma_wait3A_973 = tpu.memref_slice %arg8[%dma_wait3A_962, %dma_wait3A_971, %dma_wait3A_972] : memref<4x128x128xf32, #tpu.memory_space<vmem>> -> memref<1x128x128xf32, #tpu.memory_space<vmem>>
    %dma_wait3A_974 = tpu.memref_squeeze %dma_wait3A_973 : memref<1x128x128xf32, #tpu.memory_space<vmem>> -> memref<128x128xf32, #tpu.memory_space<vmem>>
    tpu.wait_dma2 semaphore(%arg14 : memref<!tpu.dma_semaphore, #tpu.memory_space<semaphore_mem>>) src(%dma_wait3A_974 : memref<128x128xf32, #tpu.memory_space<vmem>>) dst(%dma_wait3A_970 : memref<128x128xf32, #tpu.memory_space<hbm>>)
    %dma_wait3A_975 = arith.constant 1 : i32
    %dma_wait3A_976 = arith.constant 0 : i32
    %dma_wait3A_977 = arith.constant 0 : i32
    %dma_wait3A_978 = tpu.memref_slice %arg8[%dma_wait3A_975, %dma_wait3A_976, %dma_wait3A_977] : memref<4x128x128xf32, #tpu.memory_space<vmem>> -> memref<1x128x128xf32, #tpu.memory_space<vmem>>
    %dma_wait3A_979 = tpu.memref_squeeze %dma_wait3A_978 : memref<1x128x128xf32, #tpu.memory_space<vmem>> -> memref<128x128xf32, #tpu.memory_space<vmem>>
    %dma_wait3A_980 = arith.constant 0 : i32
    %dma_wait3A_981 = tpu.memref_slice %arg4[%add3A_894, %dma_wait3A_980] : memref<16384x128xf32, #tpu.memory_space<hbm>> -> memref<128x128xf32, #tpu.memory_space<hbm>>
    %dma_wait3A_982 = arith.constant 0 : i32
    %dma_wait3A_983 = tpu.memref_slice %arg4[%add3A_894, %dma_wait3A_982] : memref<16384x128xf32, #tpu.memory_space<hbm>> -> memref<128x128xf32, #tpu.memory_space<hbm>>
    %dma_wait3A_984 = arith.constant 0 : i32
    %dma_wait3A_985 = arith.constant 0 : i32
    %dma_wait3A_986 = tpu.memref_slice %arg8[%dma_wait3A_975, %dma_wait3A_984, %dma_wait3A_985] : memref<4x128x128xf32, #tpu.memory_space<vmem>> -> memref<1x128x128xf32, #tpu.memory_space<vmem>>
    %dma_wait3A_987 = tpu.memref_squeeze %dma_wait3A_986 : memref<1x128x128xf32, #tpu.memory_space<vmem>> -> memref<128x128xf32, #tpu.memory_space<vmem>>
    tpu.wait_dma2 semaphore(%arg14 : memref<!tpu.dma_semaphore, #tpu.memory_space<semaphore_mem>>) src(%dma_wait3A_987 : memref<128x128xf32, #tpu.memory_space<vmem>>) dst(%dma_wait3A_983 : memref<128x128xf32, #tpu.memory_space<hbm>>)
    %dma_wait3A_988 = arith.constant 2 : i32
    %dma_wait3A_989 = arith.constant 0 : i32
    %dma_wait3A_990 = arith.constant 0 : i32
    %dma_wait3A_991 = tpu.memref_slice %arg8[%dma_wait3A_988, %dma_wait3A_989, %dma_wait3A_990] : memref<4x128x128xf32, #tpu.memory_space<vmem>> -> memref<1x128x128xf32, #tpu.memory_space<vmem>>
    %dma_wait3A_992 = tpu.memref_squeeze %dma_wait3A_991 : memref<1x128x128xf32, #tpu.memory_space<vmem>> -> memref<128x128xf32, #tpu.memory_space<vmem>>
    %dma_wait3A_993 = arith.constant 0 : i32
    %dma_wait3A_994 = tpu.memref_slice %arg4[%add3A_921, %dma_wait3A_993] : memref<16384x128xf32, #tpu.memory_space<hbm>> -> memref<128x128xf32, #tpu.memory_space<hbm>>
    %dma_wait3A_995 = arith.constant 0 : i32
    %dma_wait3A_996 = tpu.memref_slice %arg4[%add3A_921, %dma_wait3A_995] : memref<16384x128xf32, #tpu.memory_space<hbm>> -> memref<128x128xf32, #tpu.memory_space<hbm>>
    %dma_wait3A_997 = arith.constant 0 : i32
    %dma_wait3A_998 = arith.constant 0 : i32
    %dma_wait3A_999 = tpu.memref_slice %arg8[%dma_wait3A_988, %dma_wait3A_997, %dma_wait3A_998] : memref<4x128x128xf32, #tpu.memory_space<vmem>> -> memref<1x128x128xf32, #tpu.memory_space<vmem>>
    %dma_wait3A_1000 = tpu.memref_squeeze %dma_wait3A_999 : memref<1x128x128xf32, #tpu.memory_space<vmem>> -> memref<128x128xf32, #tpu.memory_space<vmem>>
    tpu.wait_dma2 semaphore(%arg14 : memref<!tpu.dma_semaphore, #tpu.memory_space<semaphore_mem>>) src(%dma_wait3A_1000 : memref<128x128xf32, #tpu.memory_space<vmem>>) dst(%dma_wait3A_996 : memref<128x128xf32, #tpu.memory_space<hbm>>)
    %dma_wait3A_1001 = arith.constant 3 : i32
    %dma_wait3A_1002 = arith.constant 0 : i32
    %dma_wait3A_1003 = arith.constant 0 : i32
    %dma_wait3A_1004 = tpu.memref_slice %arg8[%dma_wait3A_1001, %dma_wait3A_1002, %dma_wait3A_1003] : memref<4x128x128xf32, #tpu.memory_space<vmem>> -> memref<1x128x128xf32, #tpu.memory_space<vmem>>
    %dma_wait3A_1005 = tpu.memref_squeeze %dma_wait3A_1004 : memref<1x128x128xf32, #tpu.memory_space<vmem>> -> memref<128x128xf32, #tpu.memory_space<vmem>>
    %dma_wait3A_1006 = arith.constant 0 : i32
    %dma_wait3A_1007 = tpu.memref_slice %arg4[%add3A_948, %dma_wait3A_1006] : memref<16384x128xf32, #tpu.memory_space<hbm>> -> memref<128x128xf32, #tpu.memory_space<hbm>>
    %dma_wait3A_1008 = arith.constant 0 : i32
    %dma_wait3A_1009 = tpu.memref_slice %arg4[%add3A_948, %dma_wait3A_1008] : memref<16384x128xf32, #tpu.memory_space<hbm>> -> memref<128x128xf32, #tpu.memory_space<hbm>>
    %dma_wait3A_1010 = arith.constant 0 : i32
    %dma_wait3A_1011 = arith.constant 0 : i32
    %dma_wait3A_1012 = tpu.memref_slice %arg8[%dma_wait3A_1001, %dma_wait3A_1010, %dma_wait3A_1011] : memref<4x128x128xf32, #tpu.memory_space<vmem>> -> memref<1x128x128xf32, #tpu.memory_space<vmem>>
    %dma_wait3A_1013 = tpu.memref_squeeze %dma_wait3A_1012 : memref<1x128x128xf32, #tpu.memory_space<vmem>> -> memref<128x128xf32, #tpu.memory_space<vmem>>
    tpu.wait_dma2 semaphore(%arg14 : memref<!tpu.dma_semaphore, #tpu.memory_space<semaphore_mem>>) src(%dma_wait3A_1013 : memref<128x128xf32, #tpu.memory_space<vmem>>) dst(%dma_wait3A_1009 : memref<128x128xf32, #tpu.memory_space<hbm>>)
    return
  }
}

</mosaic_0001>

<sc_bundles>
// kernel: kernel.3.cloned.1.call-start
scs
__scs_entry_jumppad:
0x0: {  	(pc) =	sbr.rel $0x88, $3  }
0x1: {  	(tag) =	ssettag $0x0;
	lr =	simm.s32 $0x1  }
0x2: {  	[smem:$0x3F9F] =	sst lr;
	_ =	strace $0xD0000000  }
0x3: {  	_ = 	snop  }
0x4: {  	_ = 	snop  }
0x5: {  	_ = 	snop  }
0x6: {  	_ = 	snop  }
0x7: {  	_ = 	snop  }
__scs_overlays_trampoline_lowered:
0x8: {  	[smem:$0x3FAE] =	sst s0  }
0x9: {  	[smem:$0x3FAF] =	sst s1  }
0xa: {  	[smem:$0x3FB0] =	sst s2  }
0xb: {  	[smem:$0x3FB1] =	sst s3  }
0xc: {  	[smem:$0x3FB2] =	sst s4  }
0xd: {  	[smem:$0x3FB3] =	sst s5  }
0xe: {  	[smem:$0x3FB4] =	sst s6  }
0xf: {  	[smem:$0x3FB5] =	sst s7  }
0x10: {  	[smem:$0x3FB6] =	sst s8  }
0x11: {  	[smem:$0x3FB7] =	sst s9;
	s0 =	simm.s32 @!p0 $0x0  }
0x12: {  	s1 =	sld [smem:$0x3F9D];
	s0 =	simm.s32 @p0 $0x1  }
0x13: {  	[smem:$0x3FB8] =	sst s0;
	s0 =	simm.s32 @!p1 $0x0  }
0x14: {  	s2 =	sld [smem:$0x3F9C];
	s0 =	simm.s32 @p1 $0x1  }
0x15: {  	[smem:$0x3FB9] =	sst s0;
	s0 =	simm.s32 @!p2 $0x0  }
0x16: {  	s3 =	sld [smem:$0x3FDB];
	s0 =	simm.s32 @p2 $0x1  }
0x17: {  	s4 =	simm.s32 $0x1BF5;
	[smem:$0x3FBB] =	sst s0  }
0x18: {  	s0 =	sld [smem:$0x3F9E];
	_ =	swait.ge [sflag:s4], $0x0  }
0x19: {  	s7 =	sld [smem:$0x3F9F]  }
0x1a: {  	s8 =	sadd.s32 $0xFFFFE003, lr  }
0x1b: {  	s9 =	sadd.s32 $0xFFFFFEF7, lr;
	s5 =	simm.s32 $0xFFFFFFFF;
	p2 =	slt.u32 s8, $0xFFFFF086  }
0x1c: {  	p1 =	slt.u32 s9, $0xF7A;
	s5 =	simm.s32 @!p2 $0x0  }
0x1d: {  	s5 =	simm.s32 @p1 $0x1;
	p0 =	seq.s32 s7, s2  }
0x1e: {  	s7 =	smul.u32 @!p0 $0xF7A, s2;
	p2 =	seq.s32 @!p0 s5, $0x0  }
0x1f: {  	s9 =	smul.u32 $0xF7A, s1;
	s8 =	simm.s32 @!p0 $0x1BF5;
	p2 =	por !p2, p0  }
0x20: {  	[sflag:s8] =	ssyncset.s32 @!p0 $0xFFFFF086;
	s6 =	sadd.s32 @!p0 s3, s7;
	s7 =	simm.s32 @!p0 $0x108  }
0x21: {  	s3 =	sadd.s32 s3, s9;
	s6 =	sadd.s32 @!p0 $0x88, s6;
	s7 =	simm.s32 @p2 $0x1082  }
0x22: {  	[simem:s7], [sflag:s8] =	dma.local @!p0 [hbm:s6], $0xF7A  }
0x23: {  	s9 =	sor.u32 $0xD0000000, s2;
	s6 =	simm.s32 $0x108;
	_ =	swait.ge @!p0 [sflag:s8], $0x0  }
0x24: {  	s3 =	sadd.s32 $0x88, s3;
	s6 =	simm.s32 @!p1 $0x1082;
	[sflag:s4] =	ssyncset.s32 $0xFFFFF086  }
0x25: {  	[simem:s6], [sflag:s4] =	dma.local [hbm:s3], $0xF7A  }
0x26: {  	[smem:$0x3F9F] =	sst s1;
	(tag) =	ssettag s2;
	_ =	strace s9  }
0x27: {  	s1 =	sld [smem:$0x3FAF]  }
0x28: {  	s2 =	sld [smem:$0x3FB0]  }
0x29: {  	s4 =	sld [smem:$0x3FB2]  }
0x2a: {  	p0 =	seq.s32 s5, $0x0;
	s5 =	sld [smem:$0x3FB3]  }
0x2b: {  	s6 =	sld [smem:$0x3FB4]  }
0x2c: {  	s7 =	sld [smem:$0x3FB5]  }
0x2d: {  	s3 =	simm.s32 $0x108;
	s8 =	sld [smem:$0x3FB6]  }
0x2e: {  	s3 =	simm.s32 @!p0 $0x1082;
	s9 =	sld [smem:$0x3FB7]  }
0x2f: {  	lr =	sadd.s32 s0, s3;
	s0 =	sld [smem:$0x3FAE]  }
0x30: {  	s3 =	sld [smem:$0x3FB1]  }
0x31: {  	[smem:$0x3FBA] =	sst s10  }
0x32: {  	s10 =	sld [smem:$0x3FB8];
	_ =	sdelay $0x3  }
0x33: {  	p0 =	seq.s32 s10, $0x1;
	s10 =	sld [smem:$0x3FBA];
	_ =	sdelay $0x3  }
0x34: {  	[smem:$0x3FBA] =	sst s10  }
0x35: {  	s10 =	sld [smem:$0x3FB9];
	_ =	sdelay $0x3  }
0x36: {  	p1 =	seq.s32 s10, $0x1;
	s10 =	sld [smem:$0x3FBA];
	_ =	sdelay $0x3  }
0x37: {  	[smem:$0x3FBA] =	sst s10  }
0x38: {  	s10 =	sld [smem:$0x3FBB]  }
0x39: {  	_ = 	snop;
	(pc) =	sbr.ind lr, $3  }
0x3a: {  	_ = 	snop  }
0x3b: {  	_ = 	snop  }
0x3c: {  	p2 =	seq.s32 s10, $0x1;
	s10 =	sld [smem:$0x3FBA]  }
0x3d: {  	_ =	shalt  }
0x3e: {  	_ =	shalt  }
0x3f: {  	_ =	shalt  }
0x40: {  	_ =	shalt  }
0x41: {  	_ =	shalt  }
0x42: {  	_ =	shalt  }
0x43: {  	_ =	shalt  }
0x44: {  	_ =	shalt  }
0x45: {  	_ =	shalt  }
0x46: {  	_ =	shalt  }
0x47: {  	_ =	shalt  }
0x48: {  	_ =	shalt  }
0x49: {  	_ =	shalt  }
0x4a: {  	_ =	shalt  }
0x4b: {  	_ =	shalt  }
0x4c: {  	_ =	shalt  }
0x4d: {  	_ =	shalt  }
0x4e: {  	_ =	shalt  }
0x4f: {  	_ =	shalt  }
0x50: {  	_ =	shalt  }
0x51: {  	_ =	shalt  }
0x52: {  	_ =	shalt  }
0x53: {  	_ =	shalt  }
0x54: {  	_ =	shalt  }
0x55: {  	_ =	shalt  }
0x56: {  	_ =	shalt  }
0x57: {  	_ =	shalt  }
0x58: {  	_ =	shalt  }
0x59: {  	_ =	shalt  }
0x5a: {  	_ =	shalt  }
0x5b: {  	_ =	shalt  }
0x5c: {  	_ =	shalt  }
0x5d: {  	_ =	shalt  }
0x5e: {  	_ =	shalt  }
0x5f: {  	_ =	shalt  }
0x60: {  	_ =	shalt  }
0x61: {  	_ =	shalt  }
0x62: {  	_ =	shalt  }
0x63: {  	_ =	shalt  }
0x64: {  	_ =	shalt  }
0x65: {  	_ =	shalt  }
0x66: {  	_ =	shalt  }
0x67: {  	_ =	shalt  }
0x68: {  	_ =	shalt  }
0x69: {  	_ =	shalt  }
0x6a: {  	_ =	shalt  }
0x6b: {  	_ =	shalt  }
0x6c: {  	_ =	shalt  }
0x6d: {  	_ =	shalt  }
0x6e: {  	_ =	shalt  }
0x6f: {  	_ =	shalt  }
0x70: {  	_ =	shalt  }
0x71: {  	_ =	shalt  }
0x72: {  	_ =	shalt  }
0x73: {  	_ =	shalt  }
0x74: {  	_ =	shalt  }
0x75: {  	_ =	shalt  }
0x76: {  	_ =	shalt  }
0x77: {  	_ =	shalt  }
0x78: {  	_ =	shalt  }
0x79: {  	_ =	shalt  }
0x7a: {  	_ =	shalt  }
0x7b: {  	_ =	shalt  }
0x7c: {  	_ =	shalt  }
0x7d: {  	_ =	shalt  }
0x7e: {  	_ =	shalt  }
0x7f: {  	_ =	shalt  }
0x80: {  	_ =	shalt  }
0x81: {  	_ =	shalt  }
0x82: {  	_ =	shalt  }
0x83: {  	_ =	shalt  }
0x84: {  	_ =	shalt  }
0x85: {  	_ =	shalt  }
0x86: {  	_ =	shalt  }
0x87: {  	_ =	shalt  }
.Lfunc_end0:
.L_simem_size_0:
called_computation_lowered:
.L_overlay_start_0:
0x88: {  	s2 =	sld [smem:$0x3FD9]  }
0x89: {  	s3 =	sld [smem:$0x3FFE];
	_ =	sdelay $0x1  }
0x8a: {  	s1 =	srdreg.scid  }
0x8b: {  	s0 =	sand.u32 $0x1, s1  }
0x8c: {  	s18 =	sshll.u32 s0, $0xA;
	s2 =	sadd.s32 s3, s2  }
0x8d: {  	s2 =	sadd.s32 s2, s18  }
0x8e: {  	[smem:$0x3FC6] =	sst s2  }
0x8f: {  	_ = 	snop  }
0x90: {  	s2 =	sld [smem:$0x3FC9]  }
0x91: {  	s19 =	sld [smem:$0x3FC8]  }
0x92: {  	s4 =	sld [smem:$0x3FD0];
	(tm) =	ssettm $0x1  }
0x93: {  	s5 =	sld [smem:$0x3FFB];
	_ =	sdelay $0x3  }
0x94: {  	_ =	strace s5  }
0x95: {  	s5 =	sld [smem:$0x3FFC];
	_ =	sdelay $0x3  }
0x96: {  	_ =	strace s5  }
0x97: {  	s5 =	sld [smem:$0x3FFD];
	_ =	sdelay $0x3  }
0x98: {  	_ =	strace s5  }
0x99: {  	_ =	strace $0x8FFFFFFF  }
0x9a: {  	s20 =	sld [smem:$0x3FDB];
	_ =	sdelay $0x1  }
0x9b: {  	s6 =	simm.s32 $_scs_section_size  }
0x9c: {  	s7 =	simm.s32 $_size__tile_overlayer_lowered;
	s8 =	simm.s32 $_tile_overlayer_lowered  }
0x9d: {  	s23 =	simm.s32 $0x1BFF;
	s22 =	sshll.u32 s8, $0x1;
	s5 =	sadd.s32 s6, s20  }
0x9e: {  	s9 =	simm.s32 $0x0;
	s21 =	sshll.u32 s7, $0x1;
	s7 =	sadd.s32 s22, s5  }
0x9f: {  	[timem:s9], [sflag:s23] =	dma.local [hbm:s7], s21  }
0xa0: {  	_ =	swait.ge [sflag:s23], s21  }
0xa1: {  	s6 =	ssub.s32 $0x0, s21;
	[sflag:s23] =	ssyncset.done $0x0  }
0xa2: {  	[sflag:s23] =	ssyncadd.s32 s6;
	_ =	sdelay $0x1  }
0xa3: {  	s24 =	simm.s32 $0x1B8B  }
0xa4: {  	_ =	swait.ge [sflag:s24], $0x1  }
0xa5: {  	[sflag:s24] =	ssyncset.done $0x0  }
0xa6: {  	s25 =	simm.s32 $0x1B8E;
	[sflag:s24] =	ssyncadd.s32 $0xFFFFFFFF  }
0xa7: {  	s26 =	simm.s32 $execute0_lowered;
	[smem:$0x3FD2] =	sst s25  }
0xa8: {  	s6 =	sshll.u32 s26, $0x1;
	_ =	strace $0x80000046;
	[dreg:$0x1] =	wrdreg $0xFFFFFFFF  }
0xa9: {  	s28 =	simm.s32 $_size_execute0_lowered;
	s5 =	sadd.s32 s5, s6;
	[dreg:$0x0] =	wrdreg $0x0  }
0xaa: {  	s6 =	sshll.u32 s28, $0x1;
	[dreg:$0x2] =	wrdreg s5  }
0xab: {  	[dreg:$0x3] =	wrdreg s6  }
0xac: {  	[dreg:$0x4] =	wrdreg $0xC0  }
0xad: {  	_ =	task [dreg:s9], $0x5FFFF  }
0xae: {  	[dreg:$0x1] =	wrdreg $0xFFFFFFFF  }
0xaf: {  	[dreg:$0x0] =	wrdreg $0x60  }
0xb0: {  	[dreg:$0x2] =	wrdreg s2  }
0xb1: {  	[dreg:$0x3] =	wrdreg s19  }
0xb2: {  	[dreg:$0x4] =	wrdreg s4  }
0xb3: {  	[dreg:$0x5] =	wrdreg $0x9  }
0xb4: {  	_ =	task.clear_ibuf [dreg:s9], $0x6FFFF;
	_ =	strace $0x90000046  }
0xb5: {  	s29 =	simm.s32 $0x9;
	_ =	strace $0x80000048  }
0xb6: {  	_ =	swait.ge [sflag:s29], $0x1  }
0xb7: {  	[sflag:s29] =	ssyncadd.s32 $0xFFFFFFFF  }
0xb8: {  	_ =	strace $0x90000048  }
0xb9: {  	_ =	sfence  }
0xba: {  	s30 =	sld [smem:$0x0];
	_ =	sdelay $0x2  }
0xbb: {  	s31 =	sshll.u32 s1, $0xD;
	s1 =	sshrl.u32 s1, $0x2  }
0xbc: {  	s3 =	sand.u32 $0x4000, s31;
	s1 =	sadd.s32 s1, s30  }
0xbd: {  	s0 =	sor.u32 s3, s0;
	s1 =	sshll.u32 s1, $0x11  }
0xbe: {  	s0 =	sor.u32 s1, s0  }
0xbf: {  	s0 =	sadd.s32 $0x8F2B, s0  }
0xc0: {  	[sflag:s0] =	ssyncadd.remote.s32 $0x1  }
0xc1: {  	_ =	sfence.sel $0xFFFF  }
0xc2: {  	[dreg:$0x0] =	wrdreg $0xFFFFFFFF;
	(pc) =	sbr.abs _section_cstart, $3  }
0xc3: {  	[dreg:$0x1] =	wrdreg $0xFFFFFFFF  }
0xc4: {  	_ =	task.clear_ibuf [dreg:s9], $0x2FFFF;
	_ =	strace $0x9FFFFFFF  }
0xc5: {  	(tm) =	ssettm $0x7FFFFFFF  }
tec
execute0_lowered:
.L_overlay_start_1:
0x0: {  	(tag) =	ssettag $0x1  }
0x1: {  	s4 =	rddreg [dreg:$0x0]  }
0x2: {  	s1 =	rddreg [dreg:$0x1]  }
0x3: {  	s7 =	rddreg [dreg:$0x2];
	s0 =	srdreg.scid;
	s2 =	simm.s32 $0x0  }
0x4: {  	s20 =	stileid.u32;
	s28 =	simm.s32 $0x6;
	s29 =	simm.s32 $0x7  }
0x5: {  	s31 =	simm.s32 $0x8;
	s30 =	simm.s32 $0xB;
	s8 =	sand.u32 $0x1, s0  }
0x6: {  	[smem:$0x7FF] =	sst s2;
	s11 =	sshll.u32 s20, $0x6;
	s0 =	ssub.s32 $0x2, s8  }
0x7: {  	_ =	strace $0x80000047;
	s21 =	sshll.u32 s8, $0x7;
	s6 =	sxor.u32 $0x1, s8  }
0x8: {  	s3 =	sshrl.u32 s0, $0x1;
	s25 =	sshll.u32 s6, $0xA;
	s23 =	sshll.u32 s6, $0x7  }
0x9: {  	[dreg:$0x4] =	wrdreg s21;
	s9 =	ssub.s32 s0, s3;
	s0 =	sshll.u32 s8, $0x4  }
0xa: {  	s3 =	sor.u32 $0x10, s20;
	s8 =	sshllo.u32 s8, $0x4;
	[dreg:$0x6] =	wrdreg s23  }
0xb: {  	s10 =	sor.u32 s20, s0;
	s6 =	sor.u32 $0x4, s0;
	s12 =	sor.u32 $0x6, s0  }
0xc: {  	s13 =	sor.u32 $0x7, s0;
	s14 =	sor.u32 $0x8, s0;
	s15 =	sor.u32 $0x9, s0  }
0xd: {  	s16 =	sor.u32 $0xA, s0;
	s17 =	sor.u32 $0xB, s0;
	s18 =	sor.u32 $0xC, s0  }
0xe: {  	s19 =	sor.u32 $0xD, s0;
	p0 =	slt.u32 s3, s8;
	p1 =	sgt.u32 s20, s0  }
0xf: {  	p2 =	slt.u32 s20, s0;
	s5 =	sshll.u32 s10, $0x6;
	s10 =	sshll.u32 s10, $0xD  }
0x10: {  	s22 =	sadd.s32 s4, s5;
	s4 =	sadd.s32 s4, s11;
	s5 =	sor.u32 $0x3, s0  }
0x11: {  	s11 =	sor.u32 $0x5, s0;
	s10 =	sadd.s32 s7, s10;
	s7 =	sor.u32 $0xE, s0  }
0x12: {  	s24 =	sadd.s32 s25, s4;
	s4 =	sor.u32 $0x2, s0;
	[dreg:$0x8] =	wrdreg s10  }
0x13: {  	s25 =	simm.s32 @!p0 $0x0;
	s26 =	sadd.s32 $0x800, s10;
	[dreg:$0x5] =	wrdreg s22  }
0x14: {  	p4 =	slt.u32 s20, s5;
	s25 =	simm.s32 @p0 $0x1;
	p0 =	seq.s32 s20, s8  }
0x15: {  	[dreg:$0x9] =	wrdreg s26;
	s26 =	sadd.s32 $0x10, s22;
	p5 =	slt.u32 s3, s4  }
0x16: {  	p6 =	slt.u32 s20, s4;
	[dreg:$0x7] =	wrdreg s24;
	s8 =	simm.s32 @!p0 $0x0  }
0x17: {  	[smem:$0x7E5] =	sst s25;
	s8 =	simm.s32 @p0 $0x1;
	p0 =	slt.u32 s3, s7  }
0x18: {  	s25 =	smax.u32 s9, $0x1;
	[smem:$0x7E6] =	sst s8;
	s8 =	simm.s32 @!p0 $0x0  }
0x19: {  	[dreg:$0xd] =	wrdreg s26;
	s8 =	simm.s32 @p0 $0x1;
	p0 =	slt.u32 s20, s7  }
0x1a: {  	s9 =	sadd.s32 $0x20, s22;
	[dreg:$0xc] =	wrdreg s25;
	s7 =	simm.s32 @!p0 $0x0  }
0x1b: {  	[dreg:$0xf] =	wrdreg s9;
	s7 =	simm.s32 @p0 $0x1;
	p0 =	slt.u32 s3, s19  }
0x1c: {  	s26 =	sor.u32 $0x300, s23;
	[smem:$0x7E8] =	sst s7;
	s7 =	simm.s32 @!p0 $0x0  }
0x1d: {  	[dreg:$0x18] =	wrdreg s26;
	s7 =	simm.s32 @p0 $0x1;
	p0 =	slt.u32 s20, s19  }
0x1e: {  	s25 =	sadd.s32 $0x30, s24;
	[smem:$0x7E9] =	sst s7;
	s7 =	simm.s32 @!p0 $0x0  }
0x1f: {  	s26 =	simm.s32 $0x2;
	s7 =	simm.s32 @p0 $0x1;
	p0 =	slt.u32 s3, s18  }
0x20: {  	s9 =	simm.s32 $0xC;
	[smem:$0x7EA] =	sst s7;
	s7 =	simm.s32 @!p0 $0x0  }
0x21: {  	[dreg:$0x17] =	wrdreg s25;
	s7 =	simm.s32 @p0 $0x1;
	p0 =	slt.u32 s20, s18  }
0x22: {  	s25 =	simm.s32 $0x1;
	[smem:$0x7EB] =	sst s7;
	s7 =	simm.s32 @!p0 $0x0  }
0x23: {  	[smem:$0x7E7] =	sst s8;
	s7 =	simm.s32 @p0 $0x1;
	p0 =	slt.u32 s3, s17  }
0x24: {  	s8 =	sadd.s32 $0x1000, s10;
	[smem:$0x7EC] =	sst s7;
	s7 =	simm.s32 @!p0 $0x0  }
0x25: {  	[dreg:$0xa] =	wrdreg s8;
	s7 =	simm.s32 @p0 $0x1;
	p0 =	slt.u32 s20, s17  }
0x26: {  	s8 =	sor.u32 $0x100, s21;
	[smem:$0x7ED] =	sst s7;
	s7 =	simm.s32 @!p0 $0x0  }
0x27: {  	[dreg:$0xe] =	wrdreg s8;
	s7 =	simm.s32 @p0 $0x1;
	p0 =	slt.u32 s3, s16  }
0x28: {  	s19 =	sadd.s32 $0x1800, s10;
	[smem:$0x7EE] =	sst s7;
	s7 =	simm.s32 @!p0 $0x0  }
0x29: {  	[dreg:$0xb] =	wrdreg s19;
	s7 =	simm.s32 @p0 $0x1;
	p0 =	slt.u32 s20, s16  }
0x2a: {  	s10 =	sor.u32 $0x200, s21;
	[smem:$0x7EF] =	sst s7;
	s7 =	simm.s32 @!p0 $0x0  }
0x2b: {  	[dreg:$0x10] =	wrdreg s10;
	s7 =	simm.s32 @p0 $0x1;
	p0 =	slt.u32 s3, s15  }
0x2c: {  	s8 =	simm.s32 $0x4;
	[smem:$0x7F0] =	sst s7;
	s7 =	simm.s32 @!p0 $0x0  }
0x2d: {  	v0 =	vimm.s32 $0xEFCDAB89;
	v1 =	vimm.s32 $0x67452301;
	v2 =	vimm.s32 $0xDCFE98BA;
	s19 =	sadd.s32 $0x20, s24;
	s7 =	simm.s32 @p0 $0x1;
	p0 =	slt.u32 s20, s15  }
0x2e: {  	v3 =	vimm.s32 $0x54761032;
	v4 =	vimm.s32 $0xFEDCBA98;
	s10 =	simm.s32 $0xD;
	[smem:$0x7F1] =	sst s7;
	s7 =	simm.s32 @!p0 $0x0  }
0x2f: {  	v5 =	vimm.s32 $0x76543210;
	v6 =	vimm.s32 $0xEDCBA987;
	v7 =	vimm.s32 $0x65432100;
	[dreg:$0x15] =	wrdreg s19;
	s7 =	simm.s32 @p0 $0x1;
	p0 =	slt.u32 s3, s14  }
0x30: {  	vm0 =	vcmask $0x300;
	v8 =	vimm.s32 $0xFFFFFFFF;
	v10 =	vimm.s32 $0xE40000;
	s18 =	sor.u32 $0x100, s23;
	[smem:$0x7F2] =	sst s7;
	s7 =	simm.s32 @!p0 $0x0  }
0x31: {  	v11 =	vimm.s32 $0x32100000;
	v0 =	vunpack.c.l.s4.s8 v0;
	v1 =	vunpack.c.l.s4.s8 v1;
	[dreg:$0x14] =	wrdreg s18;
	s7 =	simm.s32 @p0 $0x1;
	p0 =	slt.u32 s20, s14  }
0x32: {  	vm13 =	vcmask $0x700;
	vm14 =	vcmask $0xF00;
	v2 =	vunpack.c.l.s4.s8 v2;
	s17 =	sadd.s32 $0x10, s24;
	[smem:$0x7F3] =	sst s7;
	s7 =	simm.s32 @!p0 $0x0  }
0x33: {  	v3 =	vunpack.c.l.s4.s8 v3;
	v0 =	vunpack.c.0.s8.s32 v0;
	v1 =	vunpack.c.0.s8.s32 v1;
	[dreg:$0x13] =	wrdreg s17;
	s7 =	simm.s32 @p0 $0x1;
	p0 =	slt.u32 s3, s13  }
0x34: {  	v12 =	vimm.s32 $0x7060504;
	vm15 =	vcmask $0x3F30;
	v4 =	vunpack.c.l.s4.s8 v4;
	s17 =	simm.s32 $0x14;
	[smem:$0x7F4] =	sst s7;
	s7 =	simm.s32 @!p0 $0x0  }
0x35: {  	v0 =	vcombine.low v1, v0;
	v1 =	vunpack.c.0.s8.s32 v2;
	v2 =	vunpack.c.0.s8.s32 v3;
	s16 =	sor.u32 $0x300, s21;
	s7 =	simm.s32 @p0 $0x1;
	p0 =	slt.u32 s20, s13  }
0x36: {  	v5 =	vunpack.c.l.s4.s8 v5;
	v6 =	vunpack.c.l.s4.s8 v6;
	v13 =	vmov s21;
	s21 =	simm.s32 $0x5;
	[smem:$0x7F5] =	sst s7;
	s7 =	simm.s32 @!p0 $0x0  }
0x37: {  	v3 =	vimm.s32 $0x32107654;
	v1 =	vcombine.low v2, v1;
	v2 =	vimm.s32 $0xBA98FEDC;
	[dreg:$0x12] =	wrdreg s16;
	s7 =	simm.s32 @p0 $0x1;
	p0 =	slt.u32 s3, s12  }
0x38: {  	v7 =	vunpack.c.l.s4.s8 v7;
	v3 =	vunpack.c.l.s4.s8 v3;
	v2 =	vunpack.c.l.s4.s8 v2;
	s15 =	sadd.s32 $0x30, s22;
	[smem:$0x7F6] =	sst s7;
	s7 =	simm.s32 @!p0 $0x0  }
0x39: {  	v10 =	vunpack.c.l.s2.s4 v10;
	v11 =	vunpack.c.l.s4.s8 v11;
	v4 =	vunpack.c.0.s8.s32 v4;
	[dreg:$0x11] =	wrdreg s15;
	s7 =	simm.s32 @p0 $0x1;
	p0 =	slt.u32 s20, s12  }
0x3a: {  	v6 =	vunpack.c.0.s8.s32 v6;
	v3 =	vunpack.c.0.s8.s32 v3;
	v2 =	vunpack.c.0.s8.s32 v2;
	s22 =	sor.u32 $0x200, s23;
	[smem:$0x7F7] =	sst s7;
	s7 =	simm.s32 @!p0 $0x0  }
0x3b: {  	v5 =	vunpack.c.0.s8.s32 v5;
	v7 =	vunpack.c.0.s8.s32 v7;
	v10 =	vunpack.c.l.s4.s8 v10;
	[dreg:$0x16] =	wrdreg s22;
	s7 =	simm.s32 @p0 $0x1;
	p0 =	slt.u32 s3, s11  }
0x3c: {  	v11 =	vunpack.c.0.s8.s32 v11;
	v9 =	vcombine.low v3, v2;
	v3 =	vand.u32 $0xF, v6;
	s16 =	simm.s32 $0x13;
	[smem:$0x7F8] =	sst s7;
	s7 =	simm.s32 @!p0 $0x0  }
0x3d: {  	v4 =	vand.u32 $0xF, v4;
	v3 =	vcombine.low v7, v3;
	v7 =	vimm.s32 $0xBA987654;
	s15 =	simm.s32 $0x12;
	s7 =	simm.s32 @p0 $0x1;
	p0 =	slt.u32 s20, s11  }
0x3e: {  	v2 =	vcombine.low v4, v5;
	v4 =	vimm.s32 $0xDCBA9876;
	v7 =	vunpack.c.l.s4.s8 v7;
	s22 =	simm.s32 $0x0;
	[smem:$0x7F9] =	sst s7;
	s7 =	simm.s32 @!p0 $0x0  }
0x3f: {  	v10 =	vunpack.c.0.s8.s32 v10;
	v5 =	vimm.s32 $0x54321000;
	v6 =	vunpack.c.l.s4.s8 v4;
	s14 =	simm.s32 $0x11;
	s7 =	simm.s32 @p0 $0x1;
	p0 =	slt.u32 s3, s6  }
0x40: {  	v0 =	vand.u32 $0xF, v0;
	v5 =	vunpack.c.l.s4.s8 v5;
	v7 =	vunpack.c.0.s8.s32 v7;
	s13 =	simm.s32 $0x10;
	[smem:$0x7FA] =	sst s7;
	s7 =	simm.s32 @!p0 $0x0  }
0x41: {  	v10 =	vand.u32 $0x3, v10;
	v1 =	vand.u32 $0xF, v1;
	v6 =	vunpack.c.0.s8.s32 v6;
	s12 =	simm.s32 $0xF;
	s7 =	simm.s32 @p0 $0x1;
	p0 =	slt.u32 s20, s6  }
0x42: {  	v4 =	vsel vm0, $0x0, v8;
	v5 =	vunpack.c.0.s8.s32 v5;
	v7 =	vand.u32 $0xF, v7;
	s11 =	simm.s32 $0xE;
	s20 =	simm.s32 $0x3;
	s6 =	simm.s32 @!p0 $0x0  }
0x43: {  	v6 =	vand.u32 $0xF, v6;
	v7 =	vcombine.low v11, v7;
	v11 =	vunpack.c.0.s8.s32 v12;
	[smem:$0x7FB] =	sst s7;
	s6 =	simm.s32 @p0 $0x1;
	p0 =	slt.u32 s3, s5  }
0x44: {  	v9 =	vand.u32 $0xF, v9;
	v5 =	vcombine.low v5, v6;
	v12 =	vlaneseq.u32;
	s5 =	simm.s32 $0x15;
	[smem:$0x7FC] =	sst s6;
	s6 =	simm.s32 @!p0 $0x0  }
0x45: {  	v6 =	vsel vm13, $0x0, v8;
	v10 =	vsel vm15, v11, v10;
	v11 =	vshrl.u32 v12, $0x3;
	s6 =	simm.s32 @p0 $0x1;
	p0 =	seq.s32 s3, s0;
	s3 =	simm.s32 $0x9  }
0x46: {  	v8 =	vsel vm14, $0x0, v8;
	v12 =	vimm.s32 $0xF;
	v11 =	vmul.u32 $0xFFFFFFFF, v11;
	s0 =	simm.s32 $0xA;
	[smem:$0x7FD] =	sst s6;
	s6 =	simm.s32 $0x80  }
.LBB2_1:
0x47: {  	s4 =	rddreg [dreg:$0x4]  }
0x48: {  	s7 =	rddreg [dreg:$0x5]  }
0x49: {  	s23 =	rddreg [dreg:$0xd]  }
0x4a: {  	s24 =	rddreg [dreg:$0xe]  }
0x4b: {  	s18 =	rddreg [dreg:$0xf]  }
0x4c: {  	s19 =	rddreg [dreg:$0x10]  }
0x4d: {  	[tilespmem:s4], [sflag:$0x1] =	stream.linear.gather [hbm4b:s7+s2], $0x80, $0x38;
	[tilespmem:$0x10700] =	vst v63  }
0x4e: {  	[smem:$0x0] =	sst s2  }
0x4f: {  	[tilespmem:s24], [sflag:$0x1] =	stream.linear.gather [hbm4b:s23+s2], $0x80, $0x38;
	[tilespmem:$0x10700] =	vst v63  }
0x50: {  	s23 =	rddreg [dreg:$0x11]  }
0x51: {  	s24 =	rddreg [dreg:$0x12]  }
0x52: {  	[tilespmem:s19], [sflag:$0x1] =	stream.linear.gather [hbm4b:s18+s2], $0x80, $0x38;
	[tilespmem:$0x10700] =	vst v63  }
0x53: {  	s18 =	rddreg [dreg:$0x6]  }
0x54: {  	s19 =	rddreg [dreg:$0x7]  }
0x55: {  	[tilespmem:s24], [sflag:$0x1] =	stream.linear.gather [hbm4b:s23+s2], $0x80, $0x38;
	[tilespmem:$0x10700] =	vst v63  }
0x56: {  	s23 =	rddreg [dreg:$0x13]  }
0x57: {  	s24 =	rddreg [dreg:$0x14]  }
0x58: {  	[tilespmem:s18], [sflag:$0x2] =	stream.linear.gather [hbm4b:s19+s2], $0x80, $0x38;
	[tilespmem:$0x10700] =	vst v63  }
0x59: {  	s18 =	rddreg [dreg:$0x15]  }
0x5a: {  	s19 =	rddreg [dreg:$0x16]  }
0x5b: {  	[tilespmem:s24], [sflag:$0x2] =	stream.linear.gather [hbm4b:s23+s2], $0x80, $0x38;
	[tilespmem:$0x10700] =	vst v63  }
0x5c: {  	s23 =	rddreg [dreg:$0x17]  }
0x5d: {  	[tilespmem:s19], [sflag:$0x2] =	stream.linear.gather [hbm4b:s18+s2], $0x80, $0x38;
	[tilespmem:$0x10700] =	vst v63  }
0x5e: {  	s24 =	rddreg [dreg:$0x18]  }
0x5f: {  	[tilespmem:s24], [sflag:$0x2] =	stream.linear.gather [hbm4b:s23+s2], $0x80, $0x38;
	[tilespmem:$0x10700] =	vst v63  }
0x60: {  	[bflag:$0x0] =	sbarrier.arrive $0xFFFF  }
0x61: {  	_ =	swait.ge [sflag:s25], $0x200  }
0x62: {  	[sflag:s25] =	ssyncset.done $0x0  }
0x63: {  	[sflag:s25] =	ssyncadd.s32 $0xFFFFFE00  }
0x64: {  	_ =	swait.ge [sflag:s26], $0x200  }
0x65: {  	[sflag:s26] =	ssyncset.done $0x0  }
0x66: {  	[sflag:s26] =	ssyncadd.s32 $0xFFFFFE00  }
0x67: {  	v14 =	vld [tilespmem:$0x0]  }
0x68: {  	v15 =	vld [tilespmem:$0x10]  }
0x69: {  	v16 =	vld [tilespmem:$0x20]  }
0x6a: {  	v17 =	vld [tilespmem:$0x30]  }
0x6b: {  	v18 =	vld [tilespmem:$0x40]  }
0x6c: {  	v19 =	vld [tilespmem:$0x50]  }
0x6d: {  	v20 =	vld [tilespmem:$0x60]  }
0x6e: {  	v21 =	vld [tilespmem:$0x70]  }
0x6f: {  	v22 =	vld [tilespmem:$0x100]  }
0x70: {  	v23 =	vld [tilespmem:$0x110]  }
0x71: {  	v24 =	vld [tilespmem:$0x120]  }
0x72: {  	v25 =	vld [tilespmem:$0x130]  }
0x73: {  	v26 =	vld [tilespmem:$0x140]  }
0x74: {  	v27 =	vld [tilespmem:$0x150]  }
0x75: {  	v28 =	vld [tilespmem:$0x160]  }
0x76: {  	v29 =	vld [tilespmem:$0x170]  }
0x77: {  	v30 =	vld [tilespmem:$0x200]  }
0x78: {  	v31 =	vld [tilespmem:$0x210]  }
0x79: {  	v32 =	vld [tilespmem:$0x220]  }
0x7a: {  	v33 =	vld [tilespmem:$0x230]  }
0x7b: {  	v34 =	vld [tilespmem:$0x240]  }
0x7c: {  	v35 =	vld [tilespmem:$0x250]  }
0x7d: {  	v36 =	vld [tilespmem:$0x260]  }
0x7e: {  	v37 =	vld [tilespmem:$0x270]  }
0x7f: {  	v38 =	vld [tilespmem:$0x300]  }
0x80: {  	v39 =	vld [tilespmem:$0x310]  }
0x81: {  	v40 =	vld [tilespmem:$0x320]  }
0x82: {  	v41 =	vld [tilespmem:$0x330]  }
0x83: {  	v42 =	vld [tilespmem:$0x340]  }
0x84: {  	v43 =	vld [tilespmem:$0x350]  }
0x85: {  	v44 =	vld [tilespmem:$0x360]  }
0x86: {  	v45 =	vld [tilespmem:$0x370]  }
0x87: {  	v46 =	vld [tilespmem:$0x80]  }
0x88: {  	v47 =	vld [tilespmem:$0x90]  }
0x89: {  	v48 =	vld [tilespmem:$0xA0]  }
0x8a: {  	v14 =	vadd.s32 v14, v15;
	v15 =	vld [tilespmem:$0xB0]  }
0x8b: {  	v14 =	vadd.s32 v16, v14;
	v16 =	vld [tilespmem:$0xC0]  }
0x8c: {  	v14 =	vadd.s32 v17, v14;
	v17 =	vld [tilespmem:$0xD0]  }
0x8d: {  	v63 =	vld [tilespmem:$0xE0];
	v62 =	vadd.s32 v46, v47;
	v14 =	vadd.s32 v18, v14  }
0x8e: {  	v49 =	vld [tilespmem:$0xF0];
	v18 =	vadd.s32 v48, v62;
	v14 =	vadd.s32 v19, v14  }
0x8f: {  	v50 =	vld [tilespmem:$0x180];
	v14 =	vadd.s32 v20, v14;
	v15 =	vadd.s32 v15, v18  }
0x90: {  	v14 =	vadd.s32 v21, v14;
	v15 =	vadd.s32 v16, v15;
	v16 =	vld [tilespmem:$0x190]  }
0x91: {  	v14 =	vadd.s32 v22, v14;
	v15 =	vadd.s32 v17, v15;
	v17 =	vld [tilespmem:$0x1A0]  }
0x92: {  	v51 =	vld [tilespmem:$0x1B0];
	v14 =	vadd.s32 v23, v14;
	v15 =	vadd.s32 v63, v15  }
0x93: {  	v52 =	vld [tilespmem:$0x1C0];
	v14 =	vadd.s32 v24, v14;
	v15 =	vadd.s32 v49, v15  }
0x94: {  	v53 =	vld [tilespmem:$0x1D0];
	v14 =	vadd.s32 v25, v14;
	v15 =	vadd.s32 v50, v15  }
0x95: {  	v14 =	vadd.s32 v26, v14;
	v15 =	vadd.s32 v16, v15;
	v16 =	vld [tilespmem:$0x1E0]  }
0x96: {  	v14 =	vadd.s32 v27, v14;
	v15 =	vadd.s32 v17, v15;
	v17 =	vld [tilespmem:$0x1F0]  }
0x97: {  	v54 =	vld [tilespmem:$0x280];
	v14 =	vadd.s32 v28, v14;
	v15 =	vadd.s32 v51, v15  }
0x98: {  	v55 =	vld [tilespmem:$0x290];
	v14 =	vadd.s32 v29, v14;
	v15 =	vadd.s32 v52, v15  }
0x99: {  	v56 =	vld [tilespmem:$0x2A0];
	v14 =	vadd.s32 v30, v14;
	v15 =	vadd.s32 v53, v15  }
0x9a: {  	v14 =	vadd.s32 v31, v14;
	v15 =	vadd.s32 v16, v15;
	v16 =	vld [tilespmem:$0x2B0]  }
0x9b: {  	v14 =	vadd.s32 v32, v14;
	v15 =	vadd.s32 v17, v15;
	v17 =	vld [tilespmem:$0x2C0]  }
0x9c: {  	v57 =	vld [tilespmem:$0x2D0];
	v14 =	vadd.s32 v33, v14;
	v15 =	vadd.s32 v54, v15  }
0x9d: {  	v58 =	vld [tilespmem:$0x2E0];
	v14 =	vadd.s32 v34, v14;
	v15 =	vadd.s32 v55, v15  }
0x9e: {  	v59 =	vld [tilespmem:$0x2F0];
	v14 =	vadd.s32 v35, v14;
	v15 =	vadd.s32 v56, v15  }
0x9f: {  	v14 =	vadd.s32 v36, v14;
	v15 =	vadd.s32 v16, v15;
	v16 =	vld [tilespmem:$0x380]  }
0xa0: {  	v14 =	vadd.s32 v37, v14;
	v15 =	vadd.s32 v17, v15;
	v17 =	vld [tilespmem:$0x390]  }
0xa1: {  	v60 =	vld [tilespmem:$0x3A0];
	v14 =	vadd.s32 v38, v14;
	v15 =	vadd.s32 v57, v15  }
0xa2: {  	v61 =	vld [tilespmem:$0x3B0];
	v14 =	vadd.s32 v39, v14;
	v15 =	vadd.s32 v58, v15  }
0xa3: {  	v62 =	vld [tilespmem:$0x3C0];
	v14 =	vadd.s32 v40, v14;
	v15 =	vadd.s32 v59, v15  }
0xa4: {  	v14 =	vadd.s32 v41, v14;
	v15 =	vadd.s32 v16, v15;
	v16 =	vld [tilespmem:$0x3D0]  }
0xa5: {  	v14 =	vadd.s32 v42, v14;
	v15 =	vadd.s32 v17, v15;
	v17 =	vld [tilespmem:$0x3E0]  }
0xa6: {  	v63 =	vld [tilespmem:$0x3F0];
	v14 =	vadd.s32 v43, v14;
	v15 =	vadd.s32 v60, v15  }
0xa7: {  	v14 =	vadd.s32 v44, v14;
	v15 =	vadd.s32 v61, v15  }
0xa8: {  	v14 =	vadd.s32 v45, v14;
	v15 =	vadd.s32 v62, v15  }
0xa9: {  	v15 =	vadd.s32 v16, v15;
	v16 =	vperm.xlane v14, v0  }
0xaa: {  	v15 =	vadd.s32 v17, v15  }
0xab: {  	v14 =	vadd.s32 v16, v14;
	v15 =	vadd.s32 v63, v15  }
0xac: {  	v16 =	vperm.xlane v14, v1;
	v17 =	vperm.xlane v15, v0;
	_ =	sdelay $0x1  }
0xad: {  	v14 =	vadd.s32 v16, v14;
	v15 =	vadd.s32 v17, v15  }
0xae: {  	v16 =	vperm.xlane v14, v9;
	v17 =	vperm.xlane v15, v1;
	_ =	sdelay $0x1  }
0xaf: {  	v14 =	vadd.s32 v16, v14;
	v15 =	vadd.s32 v17, v15  }
0xb0: {  	v16 =	vperm.xlane v14, v2;
	v17 =	vperm.xlane v15, v9;
	_ =	sdelay $0x1  }
0xb1: {  	v14 =	vadd.s32 v16, v14;
	v15 =	vadd.s32 v17, v15  }
0xb2: {  	v16 =	vperm.xlane v15, v2;
	(v2sf) =	vpush v14, $0x0;
	_ =	sdelay $0x1  }
0xb3: {  	v15 =	vadd.s32 v16, v15  }
0xb4: {  	(v2sf) =	vpush v15, $0x0;
	_ =	sdelay $0xb  }
0xb5: {  	s23 =	spop (v2sf)  }
0xb6: {  	[tilespmem:$0x400] =	vst v14;
	s4 =	smov.u32 s23  }
0xb7: {  	[tilespmem:$0x480] =	vst v15;
	[sflag:s28] =	ssyncset.done $0x0;
	s4 =	simm.s32 @!p2 $0x0  }
0xb8: {  	s24 =	spop (v2sf);
	[smem:s2], [sflag:$0x6] =	smem.add.s32 s4  }
0xb9: {  	_ =	swait.done [sflag:s28]  }
0xba: {  	s4 =	smov.u32 s23;
	s7 =	smov.u32 s24;
	[sflag:s28] =	ssyncset.s32 $0x0  }
0xbb: {  	s4 =	simm.s32 @p1 $0x0;
	s7 =	simm.s32 @!p0 $0x0;
	[sflag:s28] =	ssyncset.done $0x0  }
0xbc: {  	s18 =	simm.s32 $0x10000;
	s4 =	sadd.s32 s4, s7;
	[sflag:s29] =	ssyncset.done $0x0  }
0xbd: {  	[smem:s18], [sflag:$0x7] =	smem.add.s32 s4  }
0xbe: {  	_ =	swait.done [sflag:s29]  }
0xbf: {  	s7 =	smov.u32 s24;
	s4 =	smov.u32 s23;
	[sflag:s29] =	ssyncset.s32 $0x0  }
0xc0: {  	s7 =	simm.s32 @!p5 $0x0;
	s4 =	simm.s32 @!p6 $0x0;
	[sflag:s29] =	ssyncset.done $0x0  }
0xc1: {  	s19 =	simm.s32 $0x20000;
	s4 =	sadd.s32 s4, s7;
	[sflag:s31] =	ssyncset.done $0x0  }
0xc2: {  	[smem:s19], [sflag:$0x8] =	smem.add.s32 s4  }
0xc3: {  	_ =	swait.done [sflag:s31]  }
0xc4: {  	s18 =	sld [smem:$0x7FD];
	_ =	sdelay $0x1  }
0xc5: {  	s7 =	smov.u32 s24  }
0xc6: {  	s4 =	smov.u32 s23;
	[sflag:s31] =	ssyncset.s32 $0x0;
	p3 =	seq.s32 s18, $0x1  }
0xc7: {  	s4 =	simm.s32 @!p4 $0x0;
	[sflag:s31] =	ssyncset.done $0x0;
	s7 =	simm.s32 @!p3 $0x0  }
0xc8: {  	[sflag:s3] =	ssyncset.done $0x0;
	s18 =	simm.s32 $0x30000;
	s4 =	sadd.s32 s4, s7  }
0xc9: {  	[smem:s18], [sflag:$0x9] =	smem.add.s32 s4  }
0xca: {  	_ =	swait.done [sflag:s3]  }
0xcb: {  	s19 =	sld [smem:$0x7FC];
	_ =	sdelay $0x2  }
0xcc: {  	p3 =	seq.s32 s19, $0x1;
	s19 =	sld [smem:$0x7FB];
	_ =	sdelay $0x1  }
0xcd: {  	s7 =	smov.u32 s24;
	s4 =	smov.u32 s23  }
0xce: {  	[sflag:s3] =	ssyncset.s32 $0x0;
	s4 =	simm.s32 @!p3 $0x0;
	p3 =	seq.s32 s19, $0x1  }
0xcf: {  	[sflag:s3] =	ssyncset.done $0x0;
	s7 =	simm.s32 @!p3 $0x0  }
0xd0: {  	s18 =	simm.s32 $0x40000;
	[sflag:s0] =	ssyncset.done $0x0;
	s4 =	sadd.s32 s4, s7  }
0xd1: {  	[smem:s18], [sflag:$0xA] =	smem.add.s32 s4  }
0xd2: {  	_ =	swait.done [sflag:s0]  }
0xd3: {  	s19 =	sld [smem:$0x7FA];
	_ =	sdelay $0x2  }
0xd4: {  	p3 =	seq.s32 s19, $0x1;
	s19 =	sld [smem:$0x7F9];
	_ =	sdelay $0x1  }
0xd5: {  	s7 =	smov.u32 s24;
	s4 =	smov.u32 s23  }
0xd6: {  	[sflag:s0] =	ssyncset.s32 $0x0;
	s4 =	simm.s32 @!p3 $0x0;
	p3 =	seq.s32 s19, $0x1  }
0xd7: {  	[sflag:s0] =	ssyncset.done $0x0;
	s7 =	simm.s32 @!p3 $0x0  }
0xd8: {  	s18 =	simm.s32 $0x50000;
	[sflag:s30] =	ssyncset.done $0x0;
	s4 =	sadd.s32 s4, s7  }
0xd9: {  	[smem:s18], [sflag:$0xB] =	smem.add.s32 s4  }
0xda: {  	_ =	swait.done [sflag:s30]  }
0xdb: {  	s19 =	sld [smem:$0x7F8];
	_ =	sdelay $0x2  }
0xdc: {  	p3 =	seq.s32 s19, $0x1;
	s19 =	sld [smem:$0x7F7];
	_ =	sdelay $0x1  }
0xdd: {  	s7 =	smov.u32 s24;
	s4 =	smov.u32 s23  }
0xde: {  	[sflag:s30] =	ssyncset.s32 $0x0;
	s4 =	simm.s32 @!p3 $0x0;
	p3 =	seq.s32 s19, $0x1  }
0xdf: {  	[sflag:s30] =	ssyncset.done $0x0;
	s7 =	simm.s32 @!p3 $0x0  }
0xe0: {  	s18 =	simm.s32 $0x60000;
	[sflag:s9] =	ssyncset.done $0x0;
	s4 =	sadd.s32 s4, s7  }
0xe1: {  	[smem:s18], [sflag:$0xC] =	smem.add.s32 s4  }
0xe2: {  	_ =	swait.done [sflag:s9]  }
0xe3: {  	s19 =	sld [smem:$0x7F6];
	_ =	sdelay $0x2  }
0xe4: {  	p3 =	seq.s32 s19, $0x1;
	s19 =	sld [smem:$0x7F5];
	_ =	sdelay $0x1  }
0xe5: {  	s7 =	smov.u32 s24;
	s4 =	smov.u32 s23  }
0xe6: {  	[sflag:s9] =	ssyncset.s32 $0x0;
	s4 =	simm.s32 @!p3 $0x0;
	p3 =	seq.s32 s19, $0x1  }
0xe7: {  	[sflag:s9] =	ssyncset.done $0x0;
	s7 =	simm.s32 @!p3 $0x0  }
0xe8: {  	s18 =	simm.s32 $0x70000;
	[sflag:s10] =	ssyncset.done $0x0;
	s4 =	sadd.s32 s4, s7  }
0xe9: {  	[smem:s18], [sflag:$0xD] =	smem.add.s32 s4  }
0xea: {  	_ =	swait.done [sflag:s10]  }
0xeb: {  	s19 =	sld [smem:$0x7F4];
	_ =	sdelay $0x2  }
0xec: {  	p3 =	seq.s32 s19, $0x1;
	s19 =	sld [smem:$0x7F3];
	_ =	sdelay $0x1  }
0xed: {  	s7 =	smov.u32 s24;
	s4 =	smov.u32 s23  }
0xee: {  	[sflag:s10] =	ssyncset.s32 $0x0;
	s4 =	simm.s32 @!p3 $0x0;
	p3 =	seq.s32 s19, $0x1  }
0xef: {  	[sflag:s10] =	ssyncset.done $0x0;
	s7 =	simm.s32 @!p3 $0x0  }
0xf0: {  	s18 =	simm.s32 $0x80000;
	[sflag:s11] =	ssyncset.done $0x0;
	s4 =	sadd.s32 s4, s7  }
0xf1: {  	[smem:s18], [sflag:$0xE] =	smem.add.s32 s4  }
0xf2: {  	_ =	swait.done [sflag:s11]  }
0xf3: {  	s19 =	sld [smem:$0x7F2];
	_ =	sdelay $0x2  }
0xf4: {  	p3 =	seq.s32 s19, $0x1;
	s19 =	sld [smem:$0x7F1];
	_ =	sdelay $0x1  }
0xf5: {  	s7 =	smov.u32 s24;
	s4 =	smov.u32 s23  }
0xf6: {  	[sflag:s11] =	ssyncset.s32 $0x0;
	s4 =	simm.s32 @!p3 $0x0;
	p3 =	seq.s32 s19, $0x1  }
0xf7: {  	[sflag:s11] =	ssyncset.done $0x0;
	s7 =	simm.s32 @!p3 $0x0  }
0xf8: {  	s18 =	simm.s32 $0x90000;
	[sflag:s12] =	ssyncset.done $0x0;
	s4 =	sadd.s32 s4, s7  }
0xf9: {  	[smem:s18], [sflag:$0xF] =	smem.add.s32 s4  }
0xfa: {  	_ =	swait.done [sflag:s12]  }
0xfb: {  	s19 =	sld [smem:$0x7F0];
	_ =	sdelay $0x2  }
0xfc: {  	p3 =	seq.s32 s19, $0x1;
	s19 =	sld [smem:$0x7EF];
	_ =	sdelay $0x1  }
0xfd: {  	s7 =	smov.u32 s24;
	s4 =	smov.u32 s23  }
0xfe: {  	[sflag:s12] =	ssyncset.s32 $0x0;
	s4 =	simm.s32 @!p3 $0x0;
	p3 =	seq.s32 s19, $0x1  }
0xff: {  	[sflag:s12] =	ssyncset.done $0x0;
	s7 =	simm.s32 @!p3 $0x0  }
0x100: {  	s18 =	simm.s32 $0xA0000;
	[sflag:s13] =	ssyncset.done $0x0;
	s4 =	sadd.s32 s4, s7  }
0x101: {  	[smem:s18], [sflag:$0x10] =	smem.add.s32 s4  }
0x102: {  	_ =	swait.done [sflag:s13]  }
0x103: {  	s19 =	sld [smem:$0x7EE];
	_ =	sdelay $0x2  }
0x104: {  	p3 =	seq.s32 s19, $0x1;
	s19 =	sld [smem:$0x7ED];
	_ =	sdelay $0x1  }
0x105: {  	s7 =	smov.u32 s24;
	s4 =	smov.u32 s23  }
0x106: {  	[sflag:s13] =	ssyncset.s32 $0x0;
	s4 =	simm.s32 @!p3 $0x0;
	p3 =	seq.s32 s19, $0x1  }
0x107: {  	[sflag:s13] =	ssyncset.done $0x0;
	s7 =	simm.s32 @!p3 $0x0  }
0x108: {  	s18 =	simm.s32 $0xB0000;
	[sflag:s14] =	ssyncset.done $0x0;
	s4 =	sadd.s32 s4, s7  }
0x109: {  	[smem:s18], [sflag:$0x11] =	smem.add.s32 s4  }
0x10a: {  	_ =	swait.done [sflag:s14]  }
0x10b: {  	s19 =	sld [smem:$0x7EC];
	_ =	sdelay $0x2  }
0x10c: {  	p3 =	seq.s32 s19, $0x1;
	s19 =	sld [smem:$0x7EB];
	_ =	sdelay $0x1  }
0x10d: {  	s7 =	smov.u32 s24;
	s4 =	smov.u32 s23  }
0x10e: {  	[sflag:s14] =	ssyncset.s32 $0x0;
	s4 =	simm.s32 @!p3 $0x0;
	p3 =	seq.s32 s19, $0x1  }
0x10f: {  	[sflag:s14] =	ssyncset.done $0x0;
	s7 =	simm.s32 @!p3 $0x0  }
0x110: {  	s18 =	simm.s32 $0xC0000;
	[sflag:s15] =	ssyncset.done $0x0;
	s4 =	sadd.s32 s4, s7  }
0x111: {  	[smem:s18], [sflag:$0x12] =	smem.add.s32 s4  }
0x112: {  	_ =	swait.done [sflag:s15]  }
0x113: {  	s19 =	sld [smem:$0x7EA];
	_ =	sdelay $0x2  }
0x114: {  	p3 =	seq.s32 s19, $0x1;
	s19 =	sld [smem:$0x7E9];
	_ =	sdelay $0x1  }
0x115: {  	s7 =	smov.u32 s24;
	s4 =	smov.u32 s23  }
0x116: {  	[sflag:s15] =	ssyncset.s32 $0x0;
	s4 =	simm.s32 @!p3 $0x0;
	p3 =	seq.s32 s19, $0x1  }
0x117: {  	[sflag:s15] =	ssyncset.done $0x0;
	s7 =	simm.s32 @!p3 $0x0  }
0x118: {  	s18 =	simm.s32 $0xD0000;
	[sflag:s16] =	ssyncset.done $0x0;
	s4 =	sadd.s32 s4, s7  }
0x119: {  	[smem:s18], [sflag:$0x13] =	smem.add.s32 s4  }
0x11a: {  	_ =	swait.done [sflag:s16]  }
0x11b: {  	s19 =	sld [smem:$0x7E8];
	_ =	sdelay $0x2  }
0x11c: {  	p3 =	seq.s32 s19, $0x1;
	s19 =	sld [smem:$0x7E7];
	_ =	sdelay $0x1  }
0x11d: {  	s7 =	smov.u32 s24;
	s4 =	smov.u32 s23  }
0x11e: {  	[sflag:s16] =	ssyncset.s32 $0x0;
	s4 =	simm.s32 @!p3 $0x0;
	p3 =	seq.s32 s19, $0x1  }
0x11f: {  	[sflag:s16] =	ssyncset.done $0x0;
	s7 =	simm.s32 @!p3 $0x0  }
0x120: {  	[sflag:s17] =	ssyncset.done $0x0;
	s19 =	simm.s32 $0xE0000;
	s4 =	sadd.s32 s4, s7  }
0x121: {  	[smem:s19], [sflag:$0x14] =	smem.add.s32 s4  }
0x122: {  	_ =	swait.done [sflag:s17]  }
0x123: {  	s18 =	sld [smem:$0x7E6]  }
0x124: {  	s19 =	sld [smem:$0x7E5];
	_ =	sdelay $0x1  }
0x125: {  	p3 =	seq.s32 s18, $0x1  }
0x126: {  	[sflag:s17] =	ssyncset.s32 $0x0;
	s23 =	simm.s32 @p3 $0x0;
	p3 =	seq.s32 s19, $0x1  }
0x127: {  	[sflag:s17] =	ssyncset.done $0x0;
	s24 =	simm.s32 @!p3 $0x0  }
0x128: {  	[sflag:s5] =	ssyncset.done $0x0;
	s18 =	simm.s32 $0xF0000;
	s7 =	sadd.s32 s23, s24  }
0x129: {  	[smem:s18], [sflag:$0x15] =	smem.add.s32 s7  }
0x12a: {  	_ =	swait.done [sflag:s5]  }
0x12b: {  	[sflag:s5] =	ssyncset.s32 $0x0  }
0x12c: {  	s19 =	sand.u32 $0x70, s2;
	s23 =	sand.u32 $0x300, s2;
	[sflag:s5] =	ssyncset.done $0x0  }
0x12d: {  	s4 =	sor.u32 s19, s23;
	[bflag:$0x0] =	sbarrier.arrive $0xFFFF  }
0x12e: {  	v14 =	vld.idx.msk [tilespmem:v13+s4+$0x0 ss:$0x1], $0xffff;
	_ =	sdelay $0x4  }
0x12f: {  	v15 =	vperm.xlane v14, v3;
	_ =	sdelay $0x1  }
0x130: {  	v15 =	vand.u32 v4, v15  }
0x131: {  	v14 =	vadd.s32 v14, v15  }
0x132: {  	v15 =	vperm.xlane v14, v5;
	_ =	sdelay $0x1  }
0x133: {  	v15 =	vand.u32 v6, v15  }
0x134: {  	v14 =	vadd.s32 v15, v14  }
0x135: {  	v15 =	vperm.xlane v14, v7;
	_ =	sdelay $0x1  }
0x136: {  	v15 =	vand.u32 v8, v15  }
0x137: {  	s24 =	sld [smem:$0x0];
	v14 =	vadd.s32 v15, v14  }
0x138: {  	v15 =	vperm.xlane v14, v10;
	_ =	sdelay $0x1  }
0x139: {  	v16 =	vmov s24;
	v15 =	vand.u32 v11, v15  }
0x13a: {  	v15 =	vadd.s32 v16, v15  }
0x13b: {  	v14 =	vadd.s32 v14, v15  }
0x13c: {  	v15 =	vadd.s32 $0xFFFFFFFF, v14  }
0x13d: {  	s23 =	simm.s32 $0x10;
	s18 =	sand.u32 $0x1F0, s2;
	s24 =	simm.s32 $0x20;
	vm0 =	vgt.s32 v15, $0x0  }
0x13e: {  	s7 =	simm.s32 $0x20;
	s19 =	sand.u32 $0x70, s23;
	s4 =	sand.u32 $0x300, s24;
	v14 =	vperm.xlane v14, v12;
	v15 =	vnsel vm0, $0x0, v15  }
.LBB2_2:
0x13f: {  	p3 =	sne.s32 s7, $0x1F0;
	s4 =	sor.u32 s19, s4;
	[tilespmem:s18+$0x500] =	vst v15  }
0x140: {  	v15 =	vld.idx.msk [tilespmem:v13+s4+$0x0 ss:$0x1], $0xffff;
	_ =	sdelay $0x5  }
0x141: {  	v16 =	vperm.xlane v15, v3;
	_ =	sdelay $0x1  }
0x142: {  	v16 =	vand.u32 v4, v16  }
0x143: {  	v15 =	vadd.s32 v15, v16  }
0x144: {  	v16 =	vperm.xlane v15, v5;
	_ =	sdelay $0x1  }
0x145: {  	v16 =	vand.u32 v6, v16  }
0x146: {  	v15 =	vadd.s32 v16, v15  }
0x147: {  	v16 =	vperm.xlane v15, v7;
	_ =	sdelay $0x1  }
0x148: {  	v16 =	vand.u32 v8, v16  }
0x149: {  	v15 =	vadd.s32 v16, v15  }
0x14a: {  	v16 =	vperm.xlane v15, v10;
	_ =	sdelay $0x1  }
0x14b: {  	v16 =	vand.u32 v11, v16  }
.Ltmp0:
0x14c: {  	v14 =	vadd.s32 v14, v16;
	(pc) =	sbr.rel @p3 .LBB2_2-.Ltmp0, $4  }
0x14d: {  	v14 =	vadd.s32 v15, v14  }
0x14e: {  	v15 =	vadd.s32 $0xFFFFFFFF, v14;
	v14 =	vperm.xlane v14, v12  }
0x14f: {  	s18 =	sand.u32 $0x1F0, s23;
	s24 =	sadd.s32 $0x20, s24;
	s23 =	smov.u32 s7;
	vm0 =	vgt.s32 v15, $0x0  }
0x150: {  	s7 =	sadd.s32 $0x10, s7;
	s19 =	sand.u32 $0x70, s23;
	s4 =	sand.u32 $0x300, s24;
	v15 =	vnsel vm0, $0x0, v15  }
0x151: {  	_ =	sdelay $0x2  }
0x152: {  	s4 =	sor.u32 s19, s4;
	[tilespmem:s18+$0x500] =	vst v15  }
0x153: {  	v15 =	vld.idx.msk [tilespmem:v13+s4+$0x0 ss:$0x1], $0xffff;
	_ =	sdelay $0x4  }
0x154: {  	v16 =	vperm.xlane v15, v3;
	_ =	sdelay $0x1  }
0x155: {  	v16 =	vand.u32 v4, v16  }
0x156: {  	v15 =	vadd.s32 v15, v16  }
0x157: {  	v16 =	vperm.xlane v15, v5;
	_ =	sdelay $0x1  }
0x158: {  	v16 =	vand.u32 v6, v16  }
0x159: {  	v15 =	vadd.s32 v16, v15  }
0x15a: {  	v16 =	vperm.xlane v15, v7;
	_ =	sdelay $0x1  }
0x15b: {  	v16 =	vand.u32 v8, v16  }
0x15c: {  	v15 =	vadd.s32 v16, v15  }
0x15d: {  	v16 =	vperm.xlane v15, v10;
	_ =	sdelay $0x1  }
0x15e: {  	v16 =	vand.u32 v11, v16  }
0x15f: {  	v14 =	vadd.s32 v14, v16  }
0x160: {  	v14 =	vadd.s32 v15, v14  }
0x161: {  	v14 =	vadd.s32 $0xFFFFFFFF, v14  }
0x162: {  	vm0 =	vgt.s32 v14, $0x0  }
0x163: {  	s7 =	sand.u32 $0x1F0, s23;
	v14 =	vnsel vm0, $0x0, v14  }
0x164: {  	s18 =	simm.s32 $0x500;
	[tilespmem:s7+$0x500] =	vst v14;
	s7 =	simm.s32 $0x700  }
0x165: {  	[tilespmem:s7], [sflag:$0x1] =	stream.indirect.gather [hbm4b:s1+s6], $0x80, s18, s6, $0xb8;
	[tilespmem:$0x10700] =	vst v63  }
0x166: {  	s19 =	simm.s32 $0x580;
	s18 =	simm.s32 $0x4700  }
0x167: {  	[tilespmem:s18], [sflag:$0x2] =	stream.indirect.gather [hbm4b:s1+s6], $0x80, s19, s6, $0xb8;
	[tilespmem:$0x10700] =	vst v63  }
0x168: {  	s23 =	simm.s32 $0x600;
	s19 =	simm.s32 $0x8700  }
0x169: {  	[tilespmem:s19], [sflag:$0x3] =	stream.indirect.gather [hbm4b:s1+s6], $0x80, s23, s6, $0xb8;
	[tilespmem:$0x10700] =	vst v63  }
0x16a: {  	s24 =	simm.s32 $0x680;
	s23 =	simm.s32 $0xC700  }
0x16b: {  	[tilespmem:s23], [sflag:$0x4] =	stream.indirect.gather [hbm4b:s1+s6], $0x80, s24, s6, $0xb8;
	[tilespmem:$0x10700] =	vst v63  }
0x16c: {  	_ =	swait.ge [sflag:s25], $0x4000  }
0x16d: {  	[sflag:s25] =	ssyncset.done $0x0  }
0x16e: {  	s24 =	rddreg [dreg:$0x8];
	[sflag:s25] =	ssyncadd.s32 $0xFFFFC000  }
0x16f: {  	[hbm4b:s24+s2] =	stream.linear.scatter [tilespmem:s7], [sflag:$0x5], $0x4000, $0x38;
	[tilespmem:$0x10700] =	vst v63  }
0x170: {  	_ =	swait.ge [sflag:s26], $0x4000  }
0x171: {  	[sflag:s26] =	ssyncset.done $0x0  }
0x172: {  	s7 =	rddreg [dreg:$0x9];
	[sflag:s26] =	ssyncadd.s32 $0xFFFFC000  }
0x173: {  	[hbm4b:s7+s2] =	stream.linear.scatter [tilespmem:s18], [sflag:$0x5], $0x4000, $0x38;
	[tilespmem:$0x10700] =	vst v63  }
0x174: {  	_ =	swait.ge [sflag:s20], $0x4000  }
0x175: {  	[sflag:s20] =	ssyncset.done $0x0  }
0x176: {  	s18 =	rddreg [dreg:$0xa];
	[sflag:s20] =	ssyncadd.s32 $0xFFFFC000  }
0x177: {  	[hbm4b:s18+s2] =	stream.linear.scatter [tilespmem:s19], [sflag:$0x5], $0x4000, $0x38;
	[tilespmem:$0x10700] =	vst v63  }
0x178: {  	_ =	swait.ge [sflag:s8], $0x4000  }
0x179: {  	[sflag:s8] =	ssyncset.done $0x0  }
0x17a: {  	s19 =	rddreg [dreg:$0xb];
	[sflag:s8] =	ssyncadd.s32 $0xFFFFC000  }
0x17b: {  	[hbm4b:s19+s2] =	stream.linear.scatter [tilespmem:s23], [sflag:$0x5], $0x4000, $0x38;
	[tilespmem:$0x10700] =	vst v63  }
0x17c: {  	_ =	swait.ge [sflag:s21], $0x4000  }
0x17d: {  	[sflag:s21] =	ssyncset.done $0x0  }
0x17e: {  	[sflag:s21] =	ssyncadd.s32 $0xFFFFC000  }
0x17f: {  	_ =	swait.ge [sflag:s21], $0x4000  }
0x180: {  	[sflag:s21] =	ssyncset.done $0x0  }
0x181: {  	[sflag:s21] =	ssyncadd.s32 $0xFFFFC000  }
0x182: {  	_ =	swait.ge [sflag:s21], $0x4000  }
0x183: {  	[sflag:s21] =	ssyncset.done $0x0  }
0x184: {  	[sflag:s21] =	ssyncadd.s32 $0xFFFFC000  }
0x185: {  	_ =	swait.ge [sflag:s21], $0x4000  }
0x186: {  	s22 =	sadd.s32 $0x1, s22;
	s24 =	rddreg [dreg:$0xc]  }
0x187: {  	p3 =	sne.s32 s22, s24  }
.Ltmp1:
0x188: {  	_ = 	snop;
	(pc) =	sbr.rel @p3 .LBB2_1-.Ltmp1, $3  }
0x189: {  	_ =	sdelay $0x1  }
0x18a: {  	[sflag:s21] =	ssyncset.done $0x0  }
0x18b: {  	[sflag:s21] =	ssyncadd.s32 $0xFFFFC000  }
0x18c: {  	_ =	sfence.sel $0x180000  }
0x18d: {  	[bflag:$0x0] =	sbarrier.arrive $0xFFFF  }
0x18e: {  	_ =	strace $0x90000047  }
0x18f: {  	s0 =	stileid.u32;
	[bflag:$0x2] =	sbarrier.arrive $0xFFFF  }
0x190: {  	p0 =	sne.s32 s0, $0x0;
	s0 =	rddreg [dreg:$0x3]  }
0x191: {  	s0 =	sadd.s32 @!p0 $0x100000, s0  }
0x192: {  	[sflag:s0] =	ssyncadd.tile.s32 @!p0 $0x1;
	_ =	shalt  }
.Lfunc_end2:
_tile_overlayer_lowered:
.L_overlay_start_2:
0x193: {  	(tag) =	ssettag $0x2  }
0x194: {  	s0 =	rddreg [dreg:$0x0];
	s2 =	stileid.u32  }
0x195: {  	s1 =	rddreg [dreg:$0x1];
	p0 =	sne.s32 s2, $0x0  }
0x196: {  	s3 =	rddreg [dreg:$0x2];
	[bflag:$0x3] =	sbarrier.arrive $0xFFFF;
	s2 =	simm.s32 @!p0 $0x1C06  }
0x197: {  	[timem:s3], [sflag:s2] =	dma.local @!p0 [hbm:s0], s1  }
0x198: {  	s0 =	simm.s32 @!p0 $0x6  }
0x199: {  	_ =	swait.ge @!p0 [sflag:s0], s1  }
0x19a: {  	s1 =	ssub.s32 @!p0 $0x0, s1;
	[sflag:s0] =	ssyncset.done @!p0 $0x0  }
0x19b: {  	[sflag:s0] =	ssyncadd.s32 @!p0 s1  }
0x19c: {  	[bflag:$0x3] =	sbarrier.arrive $0xFFFF  }
0x19d: {  	_ =	shalt  }

</sc_bundles>
